<compile_context>
chip_gen: v7x
topology: tpu7x:2x2x1
jax: 0.10.2.dev20260603
libtpu: 0.0.44.dev20260713+nightly
codegen_flags: <defaults>
</compile_context>

<pallas_src>
import jax
import jax.numpy as jnp
from jax import lax
from jax.experimental import pallas as pl
from jax.experimental.pallas import tpu as pltpu, tpu_sc as plsc
import functools

PAD = -1
NDISC = 128
SEP = NDISC

B = 4
NV = 1024
NF = 2048
NW = 32
SEQ = NF * 10 + 1
NTILE = (SEQ + 127) // 128
XTOT = B * NF * 9
YTOT = NTILE * 512
XPW = XTOT // NW
YPW = YTOT // NW
NTOK = NF * 9


def _quantize(x):
    t = (x + 1.0) / 2.0 * float(NDISC) - 0.5
    n = t.astype(jnp.int32)
    frac = t - n.astype(jnp.float32)
    half = jnp.float32(0.5)
    inc = (frac > half) | ((frac == half) & ((n & 1) == 1))
    d = n + inc.astype(jnp.int32)
    return jnp.minimum(jnp.maximum(d, 0), NDISC - 1)


def _body(verts_hbm, faces_hbm, y_hbm, x_hbm, x2_hbm, recon_hbm,
          verts_v, faces_v, y_v, x_v, recon_v):
    wid = lax.axis_index("s") * 2 + lax.axis_index("c")

    pltpu.sync_copy(verts_hbm, verts_v)
    pltpu.sync_copy(faces_hbm, faces_v)

    lane = lax.iota(jnp.int32, 16)

    def lookup(b, fv_local, c):
        rows = plsc.load_gather(faces_v, [b * (NF * 3) + fv_local])
        x = plsc.load_gather(verts_v, [b * (NV * 3) + rows * 3 + c])
        return x


    def xchunk(k, L):
        vc = jnp.right_shift(L, 13)
        r8 = L & 8191
        t = jnp.right_shift(r8, 9)
        rb = r8 & 511
        b = jnp.right_shift(rb, 7)
        f = (t * 128) | (rb & 127)
        v = jnp.right_shift(vc * 21846, 16)
        c = vc - v * 3
        d = _quantize(lookup(b, f * 3 + v, c))
        x_v[pl.ds(k * 16, 16)] = d
        return L + 16
    lax.fori_loop(0, XPW // 16, xchunk, wid * XPW + lane)

    def ychunk(k, L):
        t = jnp.right_shift(L, 9)
        rb = L & 511
        b = jnp.right_shift(rb, 7)
        q = (t * 128) | (rb & 127)
        qm1 = q - 1
        f = jnp.right_shift(qm1 * 52429, 19)
        r = qm1 - f * 10
        m = jnp.minimum(jnp.maximum(qm1 - f, 0), NTOK - 1)
        fv = jnp.right_shift(m * 21846, 16)
        d = _quantize(lookup(b, fv, m - fv * 3))
        val = jnp.where(r == 9, jnp.full((16,), SEP, jnp.int32), d)
        is_pad = (q == 0) | (q >= SEQ - 1)
        val = jnp.where(is_pad, jnp.full((16,), PAD, jnp.int32), val)
        y_v[pl.ds(k * 16, 16)] = val
        return L + 16
    lax.fori_loop(0, YPW // 16, ychunk, wid * YPW + lane)

    pltpu.sync_copy(x_v, x_hbm.at[pl.ds(wid * XPW, XPW)])
    pltpu.sync_copy(x_v, x2_hbm.at[pl.ds(wid * XPW, XPW)])
    pltpu.sync_copy(y_v, y_hbm.at[pl.ds(wid * YPW, YPW)])

    @pl.when(wid == 0)
    def _():
        def rchunk(k, e):
            es = jnp.minimum(e, B * 9 - 1)
            b = jnp.right_shift(es * 7282, 16)
            vc = es - b * 9
            v = jnp.right_shift(vc * 21846, 16)
            d = _quantize(lookup(b, v, vc - v * 3))
            cont = (d.astype(jnp.float32) + 0.5) / float(NDISC) * 2.0 - 1.0
            plsc.store_scatter(recon_v, [vc * 128 + b], cont)
            return e + 16
        lax.fori_loop(0, 3, rchunk, lane)
        pltpu.sync_copy(recon_v, recon_hbm)


@functools.partial(
    pl.kernel,
    out_type=(
        jax.ShapeDtypeStruct((YTOT,), jnp.int32),
        jax.ShapeDtypeStruct((XTOT,), jnp.int32),
        jax.ShapeDtypeStruct((XTOT,), jnp.int32),
        jax.ShapeDtypeStruct((9 * 128,), jnp.float32),
    ),
    mesh=plsc.VectorSubcoreMesh(
        core_axis_name="c", subcore_axis_name="s", num_cores=2, num_subcores=16),
    scratch_types=(
        pltpu.VMEM((B * NV * 3,), jnp.float32),
        pltpu.VMEM((B * NF * 3,), jnp.int32),
        pltpu.VMEM((YPW,), jnp.int32),
        pltpu.VMEM((XPW,), jnp.int32),
        pltpu.VMEM((9 * 128,), jnp.float32),
    ),
    compiler_params=pltpu.CompilerParams(needs_layout_passes=False),
)
def _mesh_tokenize(verts_hbm, faces_hbm, y_hbm, x_hbm, x2_hbm, recon_hbm,
                   verts_v, faces_v, y_v, x_v, recon_v):
    _body(verts_hbm, faces_hbm, y_hbm, x_hbm, x2_hbm, recon_hbm,
          verts_v, faces_v, y_v, x_v, recon_v)


@jax.jit
def kernel(vertices, faces):
    b, nv, _ = vertices.shape
    _, nf, _ = faces.shape
    verts2 = vertices.reshape(b * nv * 3)
    faces2 = faces.reshape(b * nf * 3)
    y, x, x2, recon64 = _mesh_tokenize(verts2, faces2)
    input_ids = (y.reshape(NTILE, b, 128).transpose(1, 0, 2)
                 .reshape(b, NTILE * 128)[:, :SEQ])
    def unpack_codes(z):
        return (z.reshape(3, 3, NF // 128, b, 128).transpose(3, 2, 4, 0, 1)
                .reshape(b, nf, 3, 3))
    attention_mask = jnp.ones((b, SEQ), dtype=jnp.float32)
    recon = (recon64.reshape(3, 3, 1, 128)[:, :, :, :b]
             .transpose(3, 2, 0, 1))
    return input_ids, attention_mask, unpack_codes(x), unpack_codes(x2), recon

# --- scband reference (transcript-rebuilt; emitter-appended) ---
"""Pipeline reference for scband-mesh-tokenizer-81793357185181 (READ-ONLY COPY).

The authoritative reference and input builder live on the scoring server;
editing this copy changes nothing except your own understanding.
"""

import jax, jax.numpy as jnp
import numpy as np

PAD_ID = -1
NUM_DISCRETE = 128
SEP_ID = NUM_DISCRETE
LO, HI = -1.0, 1.0


def setup_inputs(seed: int = 0) -> dict:
    key = jax.random.key(seed)
    k1, k2 = jax.random.split(key)
    vertices = jax.random.uniform(k1, (4, 1024, 3), dtype=jnp.float32)
    faces = jax.random.randint(k2, (4, 2048, 3), 0, 1024, dtype=jnp.int32)
    return {"vertices": vertices, "faces": faces}


def reference(vertices, faces):
    b, nv, c = vertices.shape
    _, nf, _ = faces.shape
    # face_mask: all faces are valid here (no pad_id entries in generated faces)
    face_mask = jnp.all(faces != PAD_ID, axis=-1)  # (b, nf)
    face_wo_pad = jnp.where(face_mask[:, :, None], faces, 0)
    # gather vertex coords per face: (b, nf, 3 verts, 3 coords)
    face_coords = vertices[jnp.arange(b)[:, None, None], face_wo_pad]
    # discretize to [0, 127]
    t = (face_coords - LO) / (HI - LO) * NUM_DISCRETE - 0.5
    disc = jnp.clip(jnp.round(t).astype(jnp.int32), 0, NUM_DISCRETE - 1)
    disc_padded = jnp.where(face_mask[:, :, None, None], disc, PAD_ID)
    face_tokens = disc_padded.reshape(b, nf, 9)
    # interleave separator token between consecutive faces (all faces valid -> uniform length)
    sep = jnp.full((b, nf, 1), SEP_ID, dtype=face_tokens.dtype)
    with_sep = jnp.concatenate([face_tokens, sep], axis=-1).reshape(b, nf * 10)[:, :-1]
    ph = jnp.ones((b, 1), dtype=jnp.float32)
    input_ids = jnp.concatenate([ph * PAD_ID, with_sep.astype(jnp.float32), ph * PAD_ID], axis=1).astype(jnp.int32)
    attention_mask = jnp.concatenate([ph, ph, jnp.ones((b, nf * 10 - 1), dtype=jnp.float32)], axis=1)
    codes = disc_padded
    # --- detokenize(codes): codes contain no separator tokens, so each batch yields the
    # first 9 tokens as a single face (matching the torch control flow for this input).
    toks = codes.reshape(b, -1)
    has_any = jnp.any(toks != PAD_ID, axis=1)  # (b,) all True here
    face9 = toks[:, :9].astype(jnp.float32).reshape(b, 1, 3, 3)
    mask1 = has_any[:, None]  # (b, 1)
    cont = (face9 + 0.5) / NUM_DISCRETE * (HI - LO) + LO
    recon_faces = jnp.where(mask1[:, :, None, None], cont, jnp.nan)
    return input_ids, attention_mask, codes, disc, recon_faces

if __name__ == "__main__":
    import jax
    _d = setup_inputs()
    print(jax.jit(kernel)(*tuple(_d.values())))

</pallas_src>

<mosaic_0001>
#map = affine_map<(d0, d1) -> (0)>
module attributes {stable_mosaic.version = 14 : i64} {
  func.func @_mesh_tokenize(%arg0: i32, %arg1: i32, %arg2: memref<12288xf32, #tpu.memory_space<hbm>>, %arg3: memref<24576xi32, #tpu.memory_space<hbm>>, %arg4: memref<82432xi32, #tpu.memory_space<hbm>>, %arg5: memref<73728xi32, #tpu.memory_space<hbm>>, %arg6: memref<73728xi32, #tpu.memory_space<hbm>>, %arg7: memref<1152xf32, #tpu.memory_space<hbm>>, %arg8: memref<12288xf32, #tpu.memory_space<vmem>>, %arg9: memref<24576xi32, #tpu.memory_space<vmem>>, %arg10: memref<2576xi32, #tpu.memory_space<vmem>>, %arg11: memref<2304xi32, #tpu.memory_space<vmem>>, %arg12: memref<1152xf32, #tpu.memory_space<vmem>>) attributes {dimension_semantics = [#tpu.dimension_semantics<core_parallel>, #tpu.dimension_semantics<subcore_parallel>], iteration_bounds = array<i64: 2, 16>, scalar_prefetch = 0 : i64, scratch_operands = 5 : i64, tpu.core_type = #tpu.core_type<sc_vector_subcore>, window_params = [{transform_indices = #map}, {transform_indices = #map}, {transform_indices = #map}, {transform_indices = #map}, {transform_indices = #map}, {transform_indices = #map}]} {
    %mul3A = arith.constant 2 : i32
    %mul3A_0 = arith.muli %arg1, %mul3A : i32
    %add3A = arith.addi %mul3A_0, %arg0 : i32
    "tpu.region"() ({
      %run_scoped3A = tpu.sem_alloc : memref<!tpu.dma_semaphore, #tpu.memory_space<semaphore_mem>>
      tpu.enqueue_dma source(%arg2 : memref<12288xf32, #tpu.memory_space<hbm>>) target(%arg8 : memref<12288xf32, #tpu.memory_space<vmem>>) target_semaphore(%run_scoped3A : memref<!tpu.dma_semaphore, #tpu.memory_space<semaphore_mem>>)
      tpu.wait_dma2 semaphore(%run_scoped3A : memref<!tpu.dma_semaphore, #tpu.memory_space<semaphore_mem>>) src(%arg2 : memref<12288xf32, #tpu.memory_space<hbm>>) dst(%arg8 : memref<12288xf32, #tpu.memory_space<vmem>>)
      tpu.yield
    }) : () -> ()
    "tpu.region"() ({
      %run_scoped3A = tpu.sem_alloc : memref<!tpu.dma_semaphore, #tpu.memory_space<semaphore_mem>>
      tpu.enqueue_dma source(%arg3 : memref<24576xi32, #tpu.memory_space<hbm>>) target(%arg9 : memref<24576xi32, #tpu.memory_space<vmem>>) target_semaphore(%run_scoped3A : memref<!tpu.dma_semaphore, #tpu.memory_space<semaphore_mem>>)
      tpu.wait_dma2 semaphore(%run_scoped3A : memref<!tpu.dma_semaphore, #tpu.memory_space<semaphore_mem>>) src(%arg3 : memref<24576xi32, #tpu.memory_space<hbm>>) dst(%arg9 : memref<24576xi32, #tpu.memory_space<vmem>>)
      tpu.yield
    }) : () -> ()
    %iota3A = tpu.iota {dimensions = array<i32: 0>} : vector<16xi32>
    %mul3A_1 = arith.constant 2304 : i32
    %mul3A_2 = arith.muli %add3A, %mul3A_1 : i32
    %add3A_3 = vector.broadcast %mul3A_2 : i32 to vector<16xi32>
    %add3A_4 = arith.addi %add3A_3, %iota3A : vector<16xi32>
    %scan3A = arith.constant 0 : i32
    %scan3A_5 = arith.constant 144 : i32
    %scan3A_6 = arith.addi %scan3A, %scan3A_5 : i32
    %scan3A_7 = arith.constant 1 : i32
    %scan3A_8 = scf.for %scan3A_28 = %scan3A to %scan3A_6 step %scan3A_7 iter_args(%scan3A_29 = %add3A_4) -> (vector<16xi32>)  : i32 {
      %shift_right_arithmetic3A = arith.constant 13 : i32
      %shift_right_arithmetic3A_30 = vector.broadcast %shift_right_arithmetic3A : i32 to vector<16xi32>
      %shift_right_arithmetic3A_31 = arith.shrsi %scan3A_29, %shift_right_arithmetic3A_30 : vector<16xi32>
      %and3A = arith.constant 8191 : i32
      %and3A_32 = vector.broadcast %and3A : i32 to vector<16xi32>
      %and3A_33 = arith.andi %scan3A_29, %and3A_32 : vector<16xi32>
      %shift_right_arithmetic3A_34 = arith.constant 9 : i32
      %shift_right_arithmetic3A_35 = vector.broadcast %shift_right_arithmetic3A_34 : i32 to vector<16xi32>
      %shift_right_arithmetic3A_36 = arith.shrsi %and3A_33, %shift_right_arithmetic3A_35 : vector<16xi32>
      %and3A_37 = arith.constant 511 : i32
      %and3A_38 = vector.broadcast %and3A_37 : i32 to vector<16xi32>
      %and3A_39 = arith.andi %and3A_33, %and3A_38 : vector<16xi32>
      %shift_right_arithmetic3A_40 = arith.constant 7 : i32
      %shift_right_arithmetic3A_41 = vector.broadcast %shift_right_arithmetic3A_40 : i32 to vector<16xi32>
      %shift_right_arithmetic3A_42 = arith.shrsi %and3A_39, %shift_right_arithmetic3A_41 : vector<16xi32>
      %mul3A_43 = arith.constant 128 : i32
      %mul3A_44 = vector.broadcast %mul3A_43 : i32 to vector<16xi32>
      %mul3A_45 = arith.muli %shift_right_arithmetic3A_36, %mul3A_44 : vector<16xi32>
      %and3A_46 = arith.constant 127 : i32
      %and3A_47 = vector.broadcast %and3A_46 : i32 to vector<16xi32>
      %and3A_48 = arith.andi %and3A_39, %and3A_47 : vector<16xi32>
      %or3A = arith.ori %mul3A_45, %and3A_48 : vector<16xi32>
      %mul3A_49 = arith.constant 21846 : i32
      %mul3A_50 = vector.broadcast %mul3A_49 : i32 to vector<16xi32>
      %mul3A_51 = arith.muli %shift_right_arithmetic3A_31, %mul3A_50 : vector<16xi32>
      %shift_right_arithmetic3A_52 = arith.constant 16 : i32
      %shift_right_arithmetic3A_53 = vector.broadcast %shift_right_arithmetic3A_52 : i32 to vector<16xi32>
      %shift_right_arithmetic3A_54 = arith.shrsi %mul3A_51, %shift_right_arithmetic3A_53 : vector<16xi32>
      %mul3A_55 = arith.constant 3 : i32
      %mul3A_56 = vector.broadcast %mul3A_55 : i32 to vector<16xi32>
      %mul3A_57 = arith.muli %shift_right_arithmetic3A_54, %mul3A_56 : vector<16xi32>
      %sub3A = arith.subi %shift_right_arithmetic3A_31, %mul3A_57 : vector<16xi32>
      %mul3A_58 = arith.constant 3 : i32
      %mul3A_59 = vector.broadcast %mul3A_58 : i32 to vector<16xi32>
      %mul3A_60 = arith.muli %or3A, %mul3A_59 : vector<16xi32>
      %add3A_61 = arith.addi %mul3A_60, %shift_right_arithmetic3A_54 : vector<16xi32>
      %mul3A_62 = arith.constant 6144 : i32
      %mul3A_63 = vector.broadcast %mul3A_62 : i32 to vector<16xi32>
      %mul3A_64 = arith.muli %shift_right_arithmetic3A_42, %mul3A_63 : vector<16xi32>
      %add3A_65 = arith.addi %mul3A_64, %add3A_61 : vector<16xi32>
      %gather3A = tpu.vector_load_idx %arg9[%add3A_65] : memref<24576xi32, #tpu.memory_space<vmem>>[vector<16xi32>], vector<16xi32>,
      %mul3A_66 = arith.constant 3072 : i32
      %mul3A_67 = vector.broadcast %mul3A_66 : i32 to vector<16xi32>
      %mul3A_68 = arith.muli %shift_right_arithmetic3A_42, %mul3A_67 : vector<16xi32>
      %mul3A_69 = arith.constant 3 : i32
      %mul3A_70 = vector.broadcast %mul3A_69 : i32 to vector<16xi32>
      %mul3A_71 = arith.muli %gather3A, %mul3A_70 : vector<16xi32>
      %add3A_72 = arith.addi %mul3A_68, %mul3A_71 : vector<16xi32>
      %add3A_73 = arith.addi %add3A_72, %sub3A : vector<16xi32>
      %gather3A_74 = tpu.vector_load_idx %arg8[%add3A_73] : memref<12288xf32, #tpu.memory_space<vmem>>[vector<16xi32>], vector<16xf32>,
      %add3A_75 = arith.constant 1.000000e+00 : f32
      %add3A_76 = vector.broadcast %add3A_75 : f32 to vector<16xf32>
      %add3A_77 = arith.addf %gather3A_74, %add3A_76 : vector<16xf32>
      %div3A = arith.constant 2.000000e+00 : f32
      %div3A_78 = vector.broadcast %div3A : f32 to vector<16xf32>
      %div3A_79 = arith.divf %add3A_77, %div3A_78 : vector<16xf32>
      %mul3A_80 = arith.constant 1.280000e+02 : f32
      %mul3A_81 = vector.broadcast %mul3A_80 : f32 to vector<16xf32>
      %mul3A_82 = arith.mulf %div3A_79, %mul3A_81 : vector<16xf32>
      %sub3A_83 = arith.constant 5.000000e-01 : f32
      %sub3A_84 = vector.broadcast %sub3A_83 : f32 to vector<16xf32>
      %sub3A_85 = arith.subf %mul3A_82, %sub3A_84 : vector<16xf32>
      %convert_element_type3A_86 = arith.fptosi %sub3A_85 : vector<16xf32> to vector<16xi32>
      %convert_element_type3A_87 = arith.sitofp %convert_element_type3A_86 : vector<16xi32> to vector<16xf32>
      %sub3A_88 = arith.subf %sub3A_85, %convert_element_type3A_87 : vector<16xf32>
      %gt3A = arith.constant 5.000000e-01 : f32
      %gt3A_89 = vector.broadcast %gt3A : f32 to vector<16xf32>
      %gt3A_90 = arith.cmpf ogt, %sub3A_88, %gt3A_89 : vector<16xf32>
      %eq3A_91 = arith.constant 5.000000e-01 : f32
      %eq3A_92 = vector.broadcast %eq3A_91 : f32 to vector<16xf32>
      %eq3A_93 = arith.cmpf oeq, %sub3A_88, %eq3A_92 : vector<16xf32>
      %and3A_94 = arith.constant 1 : i32
      %and3A_95 = vector.broadcast %and3A_94 : i32 to vector<16xi32>
      %and3A_96 = arith.andi %convert_element_type3A_86, %and3A_95 : vector<16xi32>
      %eq3A_97 = arith.constant 1 : i32
      %eq3A_98 = vector.broadcast %eq3A_97 : i32 to vector<16xi32>
      %eq3A_99 = arith.cmpi eq, %and3A_96, %eq3A_98 : vector<16xi32>
      %and3A_100 = arith.andi %eq3A_93, %eq3A_99 : vector<16xi1>
      %or3A_101 = arith.ori %gt3A_90, %and3A_100 : vector<16xi1>
      %convert_element_type3A_102 = arith.extui %or3A_101 : vector<16xi1> to vector<16xi32>
      %add3A_103 = arith.addi %convert_element_type3A_86, %convert_element_type3A_102 : vector<16xi32>
      %max3A = arith.constant 0 : i32
      %max3A_104 = vector.broadcast %max3A : i32 to vector<16xi32>
      %max3A_105 = arith.maxsi %add3A_103, %max3A_104 : vector<16xi32>
      %min3A = arith.constant 127 : i32
      %min3A_106 = vector.broadcast %min3A : i32 to vector<16xi32>
      %min3A_107 = arith.minsi %max3A_105, %min3A_106 : vector<16xi32>
      %mul3A_108 = arith.constant 16 : i32
      %mul3A_109 = arith.muli %scan3A_28, %mul3A_108 : i32
      %swap3A = arith.index_cast %mul3A_109 : i32 to index
      %swap3A_110 = tpu.vector_load %arg11[%swap3A] {strides = array<i32>} : memref<2304xi32, #tpu.memory_space<vmem>>, vector<16xi32>,
      tpu.vector_store %arg11[%swap3A], %min3A_107 {strides = array<i32>} : memref<2304xi32, #tpu.memory_space<vmem>>, vector<16xi32>,
      %add3A_111 = arith.constant 16 : i32
      %add3A_112 = vector.broadcast %add3A_111 : i32 to vector<16xi32>
      %add3A_113 = arith.addi %scan3A_29, %add3A_112 : vector<16xi32>
      scf.yield %add3A_113 : vector<16xi32>
    }
    %scan3A_9 = arith.constant 144 : i32
    %mul3A_10 = arith.constant 2576 : i32
    %mul3A_11 = arith.muli %add3A, %mul3A_10 : i32
    %add3A_12 = vector.broadcast %mul3A_11 : i32 to vector<16xi32>
    %add3A_13 = arith.addi %add3A_12, %iota3A : vector<16xi32>
    %scan3A_14 = arith.constant 0 : i32
    %scan3A_15 = arith.constant 161 : i32
    %scan3A_16 = arith.addi %scan3A_14, %scan3A_15 : i32
    %scan3A_17 = arith.constant 1 : i32
    %scan3A_18 = scf.for %scan3A_28 = %scan3A_14 to %scan3A_16 step %scan3A_17 iter_args(%scan3A_29 = %add3A_13) -> (vector<16xi32>)  : i32 {
      %shift_right_arithmetic3A = arith.constant 9 : i32
      %shift_right_arithmetic3A_30 = vector.broadcast %shift_right_arithmetic3A : i32 to vector<16xi32>
      %shift_right_arithmetic3A_31 = arith.shrsi %scan3A_29, %shift_right_arithmetic3A_30 : vector<16xi32>
      %and3A = arith.constant 511 : i32
      %and3A_32 = vector.broadcast %and3A : i32 to vector<16xi32>
      %and3A_33 = arith.andi %scan3A_29, %and3A_32 : vector<16xi32>
      %shift_right_arithmetic3A_34 = arith.constant 7 : i32
      %shift_right_arithmetic3A_35 = vector.broadcast %shift_right_arithmetic3A_34 : i32 to vector<16xi32>
      %shift_right_arithmetic3A_36 = arith.shrsi %and3A_33, %shift_right_arithmetic3A_35 : vector<16xi32>
      %mul3A_37 = arith.constant 128 : i32
      %mul3A_38 = vector.broadcast %mul3A_37 : i32 to vector<16xi32>
      %mul3A_39 = arith.muli %shift_right_arithmetic3A_31, %mul3A_38 : vector<16xi32>
      %and3A_40 = arith.constant 127 : i32
      %and3A_41 = vector.broadcast %and3A_40 : i32 to vector<16xi32>
      %and3A_42 = arith.andi %and3A_33, %and3A_41 : vector<16xi32>
      %or3A = arith.ori %mul3A_39, %and3A_42 : vector<16xi32>
      %sub3A = arith.constant 1 : i32
      %sub3A_43 = vector.broadcast %sub3A : i32 to vector<16xi32>
      %sub3A_44 = arith.subi %or3A, %sub3A_43 : vector<16xi32>
      %mul3A_45 = arith.constant 52429 : i32
      %mul3A_46 = vector.broadcast %mul3A_45 : i32 to vector<16xi32>
      %mul3A_47 = arith.muli %sub3A_44, %mul3A_46 : vector<16xi32>
      %shift_right_arithmetic3A_48 = arith.constant 19 : i32
      %shift_right_arithmetic3A_49 = vector.broadcast %shift_right_arithmetic3A_48 : i32 to vector<16xi32>
      %shift_right_arithmetic3A_50 = arith.shrsi %mul3A_47, %shift_right_arithmetic3A_49 : vector<16xi32>
      %mul3A_51 = arith.constant 10 : i32
      %mul3A_52 = vector.broadcast %mul3A_51 : i32 to vector<16xi32>
      %mul3A_53 = arith.muli %shift_right_arithmetic3A_50, %mul3A_52 : vector<16xi32>
      %sub3A_54 = arith.subi %sub3A_44, %mul3A_53 : vector<16xi32>
      %sub3A_55 = arith.subi %sub3A_44, %shift_right_arithmetic3A_50 : vector<16xi32>
      %max3A = arith.constant 0 : i32
      %max3A_56 = vector.broadcast %max3A : i32 to vector<16xi32>
      %max3A_57 = arith.maxsi %sub3A_55, %max3A_56 : vector<16xi32>
      %min3A = arith.constant 18431 : i32
      %min3A_58 = vector.broadcast %min3A : i32 to vector<16xi32>
      %min3A_59 = arith.minsi %max3A_57, %min3A_58 : vector<16xi32>
      %mul3A_60 = arith.constant 21846 : i32
      %mul3A_61 = vector.broadcast %mul3A_60 : i32 to vector<16xi32>
      %mul3A_62 = arith.muli %min3A_59, %mul3A_61 : vector<16xi32>
      %shift_right_arithmetic3A_63 = arith.constant 16 : i32
      %shift_right_arithmetic3A_64 = vector.broadcast %shift_right_arithmetic3A_63 : i32 to vector<16xi32>
      %shift_right_arithmetic3A_65 = arith.shrsi %mul3A_62, %shift_right_arithmetic3A_64 : vector<16xi32>
      %mul3A_66 = arith.constant 3 : i32
      %mul3A_67 = vector.broadcast %mul3A_66 : i32 to vector<16xi32>
      %mul3A_68 = arith.muli %shift_right_arithmetic3A_65, %mul3A_67 : vector<16xi32>
      %sub3A_69 = arith.subi %min3A_59, %mul3A_68 : vector<16xi32>
      %mul3A_70 = arith.constant 6144 : i32
      %mul3A_71 = vector.broadcast %mul3A_70 : i32 to vector<16xi32>
      %mul3A_72 = arith.muli %shift_right_arithmetic3A_36, %mul3A_71 : vector<16xi32>
      %add3A_73 = arith.addi %mul3A_72, %shift_right_arithmetic3A_65 : vector<16xi32>
      %gather3A = tpu.vector_load_idx %arg9[%add3A_73] : memref<24576xi32, #tpu.memory_space<vmem>>[vector<16xi32>], vector<16xi32>,
      %mul3A_74 = arith.constant 3072 : i32
      %mul3A_75 = vector.broadcast %mul3A_74 : i32 to vector<16xi32>
      %mul3A_76 = arith.muli %shift_right_arithmetic3A_36, %mul3A_75 : vector<16xi32>
      %mul3A_77 = arith.constant 3 : i32
      %mul3A_78 = vector.broadcast %mul3A_77 : i32 to vector<16xi32>
      %mul3A_79 = arith.muli %gather3A, %mul3A_78 : vector<16xi32>
      %add3A_80 = arith.addi %mul3A_76, %mul3A_79 : vector<16xi32>
      %add3A_81 = arith.addi %add3A_80, %sub3A_69 : vector<16xi32>
      %gather3A_82 = tpu.vector_load_idx %arg8[%add3A_81] : memref<12288xf32, #tpu.memory_space<vmem>>[vector<16xi32>], vector<16xf32>,
      %add3A_83 = arith.constant 1.000000e+00 : f32
      %add3A_84 = vector.broadcast %add3A_83 : f32 to vector<16xf32>
      %add3A_85 = arith.addf %gather3A_82, %add3A_84 : vector<16xf32>
      %div3A = arith.constant 2.000000e+00 : f32
      %div3A_86 = vector.broadcast %div3A : f32 to vector<16xf32>
      %div3A_87 = arith.divf %add3A_85, %div3A_86 : vector<16xf32>
      %mul3A_88 = arith.constant 1.280000e+02 : f32
      %mul3A_89 = vector.broadcast %mul3A_88 : f32 to vector<16xf32>
      %mul3A_90 = arith.mulf %div3A_87, %mul3A_89 : vector<16xf32>
      %sub3A_91 = arith.constant 5.000000e-01 : f32
      %sub3A_92 = vector.broadcast %sub3A_91 : f32 to vector<16xf32>
      %sub3A_93 = arith.subf %mul3A_90, %sub3A_92 : vector<16xf32>
      %convert_element_type3A_94 = arith.fptosi %sub3A_93 : vector<16xf32> to vector<16xi32>
      %convert_element_type3A_95 = arith.sitofp %convert_element_type3A_94 : vector<16xi32> to vector<16xf32>
      %sub3A_96 = arith.subf %sub3A_93, %convert_element_type3A_95 : vector<16xf32>
      %gt3A = arith.constant 5.000000e-01 : f32
      %gt3A_97 = vector.broadcast %gt3A : f32 to vector<16xf32>
      %gt3A_98 = arith.cmpf ogt, %sub3A_96, %gt3A_97 : vector<16xf32>
      %eq3A_99 = arith.constant 5.000000e-01 : f32
      %eq3A_100 = vector.broadcast %eq3A_99 : f32 to vector<16xf32>
      %eq3A_101 = arith.cmpf oeq, %sub3A_96, %eq3A_100 : vector<16xf32>
      %and3A_102 = arith.constant 1 : i32
      %and3A_103 = vector.broadcast %and3A_102 : i32 to vector<16xi32>
      %and3A_104 = arith.andi %convert_element_type3A_94, %and3A_103 : vector<16xi32>
      %eq3A_105 = arith.constant 1 : i32
      %eq3A_106 = vector.broadcast %eq3A_105 : i32 to vector<16xi32>
      %eq3A_107 = arith.cmpi eq, %and3A_104, %eq3A_106 : vector<16xi32>
      %and3A_108 = arith.andi %eq3A_101, %eq3A_107 : vector<16xi1>
      %or3A_109 = arith.ori %gt3A_98, %and3A_108 : vector<16xi1>
      %convert_element_type3A_110 = arith.extui %or3A_109 : vector<16xi1> to vector<16xi32>
      %add3A_111 = arith.addi %convert_element_type3A_94, %convert_element_type3A_110 : vector<16xi32>
      %max3A_112 = arith.constant 0 : i32
      %max3A_113 = vector.broadcast %max3A_112 : i32 to vector<16xi32>
      %max3A_114 = arith.maxsi %add3A_111, %max3A_113 : vector<16xi32>
      %min3A_115 = arith.constant 127 : i32
      %min3A_116 = vector.broadcast %min3A_115 : i32 to vector<16xi32>
      %min3A_117 = arith.minsi %max3A_114, %min3A_116 : vector<16xi32>
      %eq3A_118 = arith.constant 9 : i32
      %eq3A_119 = vector.broadcast %eq3A_118 : i32 to vector<16xi32>
      %eq3A_120 = arith.cmpi eq, %sub3A_54, %eq3A_119 : vector<16xi32>
      %broadcast_in_dim3A = arith.constant 128 : i32
      %broadcast_in_dim3A_121 = vector.broadcast %broadcast_in_dim3A : i32 to vector<16xi32>
      %select_n3A = arith.select %eq3A_120, %broadcast_in_dim3A_121, %min3A_117 : vector<16xi1>, vector<16xi32>
      %eq3A_122 = arith.constant 0 : i32
      %eq3A_123 = vector.broadcast %eq3A_122 : i32 to vector<16xi32>
      %eq3A_124 = arith.cmpi eq, %or3A, %eq3A_123 : vector<16xi32>
      %ge3A = arith.constant 20480 : i32
      %ge3A_125 = vector.broadcast %ge3A : i32 to vector<16xi32>
      %ge3A_126 = arith.cmpi sge, %or3A, %ge3A_125 : vector<16xi32>
      %or3A_127 = arith.ori %eq3A_124, %ge3A_126 : vector<16xi1>
      %broadcast_in_dim3A_128 = arith.constant -1 : i32
      %broadcast_in_dim3A_129 = vector.broadcast %broadcast_in_dim3A_128 : i32 to vector<16xi32>
      %select_n3A_130 = arith.select %or3A_127, %broadcast_in_dim3A_129, %select_n3A : vector<16xi1>, vector<16xi32>
      %mul3A_131 = arith.constant 16 : i32
      %mul3A_132 = arith.muli %scan3A_28, %mul3A_131 : i32
      %swap3A = arith.index_cast %mul3A_132 : i32 to index
      %swap3A_133 = tpu.vector_load %arg10[%swap3A] {strides = array<i32>} : memref<2576xi32, #tpu.memory_space<vmem>>, vector<16xi32>,
      tpu.vector_store %arg10[%swap3A], %select_n3A_130 {strides = array<i32>} : memref<2576xi32, #tpu.memory_space<vmem>>, vector<16xi32>,
      %add3A_134 = arith.constant 16 : i32
      %add3A_135 = vector.broadcast %add3A_134 : i32 to vector<16xi32>
      %add3A_136 = arith.addi %scan3A_29, %add3A_135 : vector<16xi32>
      scf.yield %add3A_136 : vector<16xi32>
    }
    %scan3A_19 = arith.constant 161 : i32
    %mul3A_20 = arith.constant 2304 : i32
    %mul3A_21 = arith.muli %add3A, %mul3A_20 : i32
    "tpu.region"() ({
      %run_scoped3A = tpu.sem_alloc : memref<!tpu.dma_semaphore, #tpu.memory_space<semaphore_mem>>
      %dma_start3A = tpu.memref_slice %arg5[%mul3A_21] : memref<73728xi32, #tpu.memory_space<hbm>> -> memref<2304xi32, #tpu.memory_space<hbm>>
      %dma_start3A_28 = tpu.memref_slice %arg5[%mul3A_21] : memref<73728xi32, #tpu.memory_space<hbm>> -> memref<2304xi32, #tpu.memory_space<hbm>>
      tpu.enqueue_dma source(%arg11 : memref<2304xi32, #tpu.memory_space<vmem>>) target(%dma_start3A_28 : memref<2304xi32, #tpu.memory_space<hbm>>) target_semaphore(%run_scoped3A : memref<!tpu.dma_semaphore, #tpu.memory_space<semaphore_mem>>)
      %dma_wait3A = tpu.memref_slice %arg5[%mul3A_21] : memref<73728xi32, #tpu.memory_space<hbm>> -> memref<2304xi32, #tpu.memory_space<hbm>>
      %dma_wait3A_29 = tpu.memref_slice %arg5[%mul3A_21] : memref<73728xi32, #tpu.memory_space<hbm>> -> memref<2304xi32, #tpu.memory_space<hbm>>
      tpu.wait_dma2 semaphore(%run_scoped3A : memref<!tpu.dma_semaphore, #tpu.memory_space<semaphore_mem>>) src(%arg11 : memref<2304xi32, #tpu.memory_space<vmem>>) dst(%dma_wait3A_29 : memref<2304xi32, #tpu.memory_space<hbm>>)
      tpu.yield
    }) : () -> ()
    %mul3A_22 = arith.constant 2304 : i32
    %mul3A_23 = arith.muli %add3A, %mul3A_22 : i32
    "tpu.region"() ({
      %run_scoped3A = tpu.sem_alloc : memref<!tpu.dma_semaphore, #tpu.memory_space<semaphore_mem>>
      %dma_start3A = tpu.memref_slice %arg6[%mul3A_23] : memref<73728xi32, #tpu.memory_space<hbm>> -> memref<2304xi32, #tpu.memory_space<hbm>>
      %dma_start3A_28 = tpu.memref_slice %arg6[%mul3A_23] : memref<73728xi32, #tpu.memory_space<hbm>> -> memref<2304xi32, #tpu.memory_space<hbm>>
      tpu.enqueue_dma source(%arg11 : memref<2304xi32, #tpu.memory_space<vmem>>) target(%dma_start3A_28 : memref<2304xi32, #tpu.memory_space<hbm>>) target_semaphore(%run_scoped3A : memref<!tpu.dma_semaphore, #tpu.memory_space<semaphore_mem>>)
      %dma_wait3A = tpu.memref_slice %arg6[%mul3A_23] : memref<73728xi32, #tpu.memory_space<hbm>> -> memref<2304xi32, #tpu.memory_space<hbm>>
      %dma_wait3A_29 = tpu.memref_slice %arg6[%mul3A_23] : memref<73728xi32, #tpu.memory_space<hbm>> -> memref<2304xi32, #tpu.memory_space<hbm>>
      tpu.wait_dma2 semaphore(%run_scoped3A : memref<!tpu.dma_semaphore, #tpu.memory_space<semaphore_mem>>) src(%arg11 : memref<2304xi32, #tpu.memory_space<vmem>>) dst(%dma_wait3A_29 : memref<2304xi32, #tpu.memory_space<hbm>>)
      tpu.yield
    }) : () -> ()
    %mul3A_24 = arith.constant 2576 : i32
    %mul3A_25 = arith.muli %add3A, %mul3A_24 : i32
    "tpu.region"() ({
      %run_scoped3A = tpu.sem_alloc : memref<!tpu.dma_semaphore, #tpu.memory_space<semaphore_mem>>
      %dma_start3A = tpu.memref_slice %arg4[%mul3A_25] : memref<82432xi32, #tpu.memory_space<hbm>> -> memref<2576xi32, #tpu.memory_space<hbm>>
      %dma_start3A_28 = tpu.memref_slice %arg4[%mul3A_25] : memref<82432xi32, #tpu.memory_space<hbm>> -> memref<2576xi32, #tpu.memory_space<hbm>>
      tpu.enqueue_dma source(%arg10 : memref<2576xi32, #tpu.memory_space<vmem>>) target(%dma_start3A_28 : memref<2576xi32, #tpu.memory_space<hbm>>) target_semaphore(%run_scoped3A : memref<!tpu.dma_semaphore, #tpu.memory_space<semaphore_mem>>)
      %dma_wait3A = tpu.memref_slice %arg4[%mul3A_25] : memref<82432xi32, #tpu.memory_space<hbm>> -> memref<2576xi32, #tpu.memory_space<hbm>>
      %dma_wait3A_29 = tpu.memref_slice %arg4[%mul3A_25] : memref<82432xi32, #tpu.memory_space<hbm>> -> memref<2576xi32, #tpu.memory_space<hbm>>
      tpu.wait_dma2 semaphore(%run_scoped3A : memref<!tpu.dma_semaphore, #tpu.memory_space<semaphore_mem>>) src(%arg10 : memref<2576xi32, #tpu.memory_space<vmem>>) dst(%dma_wait3A_29 : memref<2576xi32, #tpu.memory_space<hbm>>)
      tpu.yield
    }) : () -> ()
    %eq3A = arith.constant 0 : i32
    %eq3A_26 = arith.cmpi eq, %add3A, %eq3A : i32
    %convert_element_type3A = arith.extui %eq3A_26 : i1 to i32
    %cond3A = arith.constant 0 : i32
    %cond3A_27 = arith.cmpi ne, %convert_element_type3A, %cond3A : i32
    scf.if %cond3A_27 {
      %scan3A_28 = arith.constant 0 : i32
      %scan3A_29 = arith.constant 3 : i32
      %scan3A_30 = arith.addi %scan3A_28, %scan3A_29 : i32
      %scan3A_31 = arith.constant 1 : i32
      %scan3A_32 = scf.for %scan3A_34 = %scan3A_28 to %scan3A_30 step %scan3A_31 iter_args(%scan3A_35 = %iota3A) -> (vector<16xi32>)  : i32 {
        %min3A = arith.constant 35 : i32
        %min3A_36 = vector.broadcast %min3A : i32 to vector<16xi32>
        %min3A_37 = arith.minsi %scan3A_35, %min3A_36 : vector<16xi32>
        %mul3A_38 = arith.constant 7282 : i32
        %mul3A_39 = vector.broadcast %mul3A_38 : i32 to vector<16xi32>
        %mul3A_40 = arith.muli %min3A_37, %mul3A_39 : vector<16xi32>
        %shift_right_arithmetic3A = arith.constant 16 : i32
        %shift_right_arithmetic3A_41 = vector.broadcast %shift_right_arithmetic3A : i32 to vector<16xi32>
        %shift_right_arithmetic3A_42 = arith.shrsi %mul3A_40, %shift_right_arithmetic3A_41 : vector<16xi32>
        %mul3A_43 = arith.constant 9 : i32
        %mul3A_44 = vector.broadcast %mul3A_43 : i32 to vector<16xi32>
        %mul3A_45 = arith.muli %shift_right_arithmetic3A_42, %mul3A_44 : vector<16xi32>
        %sub3A = arith.subi %min3A_37, %mul3A_45 : vector<16xi32>
        %mul3A_46 = arith.constant 21846 : i32
        %mul3A_47 = vector.broadcast %mul3A_46 : i32 to vector<16xi32>
        %mul3A_48 = arith.muli %sub3A, %mul3A_47 : vector<16xi32>
        %shift_right_arithmetic3A_49 = arith.constant 16 : i32
        %shift_right_arithmetic3A_50 = vector.broadcast %shift_right_arithmetic3A_49 : i32 to vector<16xi32>
        %shift_right_arithmetic3A_51 = arith.shrsi %mul3A_48, %shift_right_arithmetic3A_50 : vector<16xi32>
        %mul3A_52 = arith.constant 3 : i32
        %mul3A_53 = vector.broadcast %mul3A_52 : i32 to vector<16xi32>
        %mul3A_54 = arith.muli %shift_right_arithmetic3A_51, %mul3A_53 : vector<16xi32>
        %sub3A_55 = arith.subi %sub3A, %mul3A_54 : vector<16xi32>
        %mul3A_56 = arith.constant 6144 : i32
        %mul3A_57 = vector.broadcast %mul3A_56 : i32 to vector<16xi32>
        %mul3A_58 = arith.muli %shift_right_arithmetic3A_42, %mul3A_57 : vector<16xi32>
        %add3A_59 = arith.addi %mul3A_58, %shift_right_arithmetic3A_51 : vector<16xi32>
        %gather3A = tpu.vector_load_idx %arg9[%add3A_59] : memref<24576xi32, #tpu.memory_space<vmem>>[vector<16xi32>], vector<16xi32>,
        %mul3A_60 = arith.constant 3072 : i32
        %mul3A_61 = vector.broadcast %mul3A_60 : i32 to vector<16xi32>
        %mul3A_62 = arith.muli %shift_right_arithmetic3A_42, %mul3A_61 : vector<16xi32>
        %mul3A_63 = arith.constant 3 : i32
        %mul3A_64 = vector.broadcast %mul3A_63 : i32 to vector<16xi32>
        %mul3A_65 = arith.muli %gather3A, %mul3A_64 : vector<16xi32>
        %add3A_66 = arith.addi %mul3A_62, %mul3A_65 : vector<16xi32>
        %add3A_67 = arith.addi %add3A_66, %sub3A_55 : vector<16xi32>
        %gather3A_68 = tpu.vector_load_idx %arg8[%add3A_67] : memref<12288xf32, #tpu.memory_space<vmem>>[vector<16xi32>], vector<16xf32>,
        %add3A_69 = arith.constant 1.000000e+00 : f32
        %add3A_70 = vector.broadcast %add3A_69 : f32 to vector<16xf32>
        %add3A_71 = arith.addf %gather3A_68, %add3A_70 : vector<16xf32>
        %div3A = arith.constant 2.000000e+00 : f32
        %div3A_72 = vector.broadcast %div3A : f32 to vector<16xf32>
        %div3A_73 = arith.divf %add3A_71, %div3A_72 : vector<16xf32>
        %mul3A_74 = arith.constant 1.280000e+02 : f32
        %mul3A_75 = vector.broadcast %mul3A_74 : f32 to vector<16xf32>
        %mul3A_76 = arith.mulf %div3A_73, %mul3A_75 : vector<16xf32>
        %sub3A_77 = arith.constant 5.000000e-01 : f32
        %sub3A_78 = vector.broadcast %sub3A_77 : f32 to vector<16xf32>
        %sub3A_79 = arith.subf %mul3A_76, %sub3A_78 : vector<16xf32>
        %convert_element_type3A_80 = arith.fptosi %sub3A_79 : vector<16xf32> to vector<16xi32>
        %convert_element_type3A_81 = arith.sitofp %convert_element_type3A_80 : vector<16xi32> to vector<16xf32>
        %sub3A_82 = arith.subf %sub3A_79, %convert_element_type3A_81 : vector<16xf32>
        %gt3A = arith.constant 5.000000e-01 : f32
        %gt3A_83 = vector.broadcast %gt3A : f32 to vector<16xf32>
        %gt3A_84 = arith.cmpf ogt, %sub3A_82, %gt3A_83 : vector<16xf32>
        %eq3A_85 = arith.constant 5.000000e-01 : f32
        %eq3A_86 = vector.broadcast %eq3A_85 : f32 to vector<16xf32>
        %eq3A_87 = arith.cmpf oeq, %sub3A_82, %eq3A_86 : vector<16xf32>
        %and3A = arith.constant 1 : i32
        %and3A_88 = vector.broadcast %and3A : i32 to vector<16xi32>
        %and3A_89 = arith.andi %convert_element_type3A_80, %and3A_88 : vector<16xi32>
        %eq3A_90 = arith.constant 1 : i32
        %eq3A_91 = vector.broadcast %eq3A_90 : i32 to vector<16xi32>
        %eq3A_92 = arith.cmpi eq, %and3A_89, %eq3A_91 : vector<16xi32>
        %and3A_93 = arith.andi %eq3A_87, %eq3A_92 : vector<16xi1>
        %or3A = arith.ori %gt3A_84, %and3A_93 : vector<16xi1>
        %convert_element_type3A_94 = arith.extui %or3A : vector<16xi1> to vector<16xi32>
        %add3A_95 = arith.addi %convert_element_type3A_80, %convert_element_type3A_94 : vector<16xi32>
        %max3A = arith.constant 0 : i32
        %max3A_96 = vector.broadcast %max3A : i32 to vector<16xi32>
        %max3A_97 = arith.maxsi %add3A_95, %max3A_96 : vector<16xi32>
        %min3A_98 = arith.constant 127 : i32
        %min3A_99 = vector.broadcast %min3A_98 : i32 to vector<16xi32>
        %min3A_100 = arith.minsi %max3A_97, %min3A_99 : vector<16xi32>
        %convert_element_type3A_101 = arith.sitofp %min3A_100 : vector<16xi32> to vector<16xf32>
        %add3A_102 = arith.constant 5.000000e-01 : f32
        %add3A_103 = vector.broadcast %add3A_102 : f32 to vector<16xf32>
        %add3A_104 = arith.addf %convert_element_type3A_101, %add3A_103 : vector<16xf32>
        %div3A_105 = arith.constant 1.280000e+02 : f32
        %div3A_106 = vector.broadcast %div3A_105 : f32 to vector<16xf32>
        %div3A_107 = arith.divf %add3A_104, %div3A_106 : vector<16xf32>
        %mul3A_108 = arith.constant 2.000000e+00 : f32
        %mul3A_109 = vector.broadcast %mul3A_108 : f32 to vector<16xf32>
        %mul3A_110 = arith.mulf %div3A_107, %mul3A_109 : vector<16xf32>
        %sub3A_111 = arith.constant 1.000000e+00 : f32
        %sub3A_112 = vector.broadcast %sub3A_111 : f32 to vector<16xf32>
        %sub3A_113 = arith.subf %mul3A_110, %sub3A_112 : vector<16xf32>
        %mul3A_114 = arith.constant 128 : i32
        %mul3A_115 = vector.broadcast %mul3A_114 : i32 to vector<16xi32>
        %mul3A_116 = arith.muli %sub3A, %mul3A_115 : vector<16xi32>
        %add3A_117 = arith.addi %mul3A_116, %shift_right_arithmetic3A_42 : vector<16xi32>
        tpu.vector_store_idx %arg12[%add3A_117], %sub3A_113 : memref<1152xf32, #tpu.memory_space<vmem>>[vector<16xi32>], vector<16xf32>,
        %add3A_118 = arith.constant 16 : i32
        %add3A_119 = vector.broadcast %add3A_118 : i32 to vector<16xi32>
        %add3A_120 = arith.addi %scan3A_35, %add3A_119 : vector<16xi32>
        scf.yield %add3A_120 : vector<16xi32>
      }
      %scan3A_33 = arith.constant 3 : i32
      "tpu.region"() ({
        %run_scoped3A = tpu.sem_alloc : memref<!tpu.dma_semaphore, #tpu.memory_space<semaphore_mem>>
        tpu.enqueue_dma source(%arg12 : memref<1152xf32, #tpu.memory_space<vmem>>) target(%arg7 : memref<1152xf32, #tpu.memory_space<hbm>>) target_semaphore(%run_scoped3A : memref<!tpu.dma_semaphore, #tpu.memory_space<semaphore_mem>>)
        tpu.wait_dma2 semaphore(%run_scoped3A : memref<!tpu.dma_semaphore, #tpu.memory_space<semaphore_mem>>) src(%arg12 : memref<1152xf32, #tpu.memory_space<vmem>>) dst(%arg7 : memref<1152xf32, #tpu.memory_space<hbm>>)
        tpu.yield
      }) : () -> ()
    } else {
    }
    return
  }
}

</mosaic_0001>

<sc_bundles>
// kernel: kernel.3.cloned.1.call-start
scs
__scs_entry_jumppad:
0x0: {  	(pc) =	sbr.rel $0x88, $3  }
0x1: {  	(tag) =	ssettag $0x0;
	lr =	simm.s32 $0x1  }
0x2: {  	[smem:$0x3F9F] =	sst lr;
	_ =	strace $0xD0000000  }
0x3: {  	_ = 	snop  }
0x4: {  	_ = 	snop  }
0x5: {  	_ = 	snop  }
0x6: {  	_ = 	snop  }
0x7: {  	_ = 	snop  }
__scs_overlays_trampoline_lowered:
0x8: {  	[smem:$0x3FAE] =	sst s0  }
0x9: {  	[smem:$0x3FAF] =	sst s1  }
0xa: {  	[smem:$0x3FB0] =	sst s2  }
0xb: {  	[smem:$0x3FB1] =	sst s3  }
0xc: {  	[smem:$0x3FB2] =	sst s4  }
0xd: {  	[smem:$0x3FB3] =	sst s5  }
0xe: {  	[smem:$0x3FB4] =	sst s6  }
0xf: {  	[smem:$0x3FB5] =	sst s7  }
0x10: {  	[smem:$0x3FB6] =	sst s8  }
0x11: {  	[smem:$0x3FB7] =	sst s9;
	s0 =	simm.s32 @!p0 $0x0  }
0x12: {  	s1 =	sld [smem:$0x3F9D];
	s0 =	simm.s32 @p0 $0x1  }
0x13: {  	[smem:$0x3FB8] =	sst s0;
	s0 =	simm.s32 @!p1 $0x0  }
0x14: {  	s2 =	sld [smem:$0x3F9C];
	s0 =	simm.s32 @p1 $0x1  }
0x15: {  	[smem:$0x3FB9] =	sst s0;
	s0 =	simm.s32 @!p2 $0x0  }
0x16: {  	s3 =	sld [smem:$0x3FDB];
	s0 =	simm.s32 @p2 $0x1  }
0x17: {  	s4 =	simm.s32 $0x1BF5;
	[smem:$0x3FBB] =	sst s0  }
0x18: {  	s0 =	sld [smem:$0x3F9E];
	_ =	swait.ge [sflag:s4], $0x0  }
0x19: {  	s7 =	sld [smem:$0x3F9F]  }
0x1a: {  	s8 =	sadd.s32 $0xFFFFE003, lr  }
0x1b: {  	s9 =	sadd.s32 $0xFFFFFEF7, lr;
	s5 =	simm.s32 $0xFFFFFFFF;
	p2 =	slt.u32 s8, $0xFFFFF086  }
0x1c: {  	p1 =	slt.u32 s9, $0xF7A;
	s5 =	simm.s32 @!p2 $0x0  }
0x1d: {  	s5 =	simm.s32 @p1 $0x1;
	p0 =	seq.s32 s7, s2  }
0x1e: {  	s7 =	smul.u32 @!p0 $0xF7A, s2;
	p2 =	seq.s32 @!p0 s5, $0x0  }
0x1f: {  	s9 =	smul.u32 $0xF7A, s1;
	s8 =	simm.s32 @!p0 $0x1BF5;
	p2 =	por !p2, p0  }
0x20: {  	[sflag:s8] =	ssyncset.s32 @!p0 $0xFFFFF086;
	s6 =	sadd.s32 @!p0 s3, s7;
	s7 =	simm.s32 @!p0 $0x108  }
0x21: {  	s3 =	sadd.s32 s3, s9;
	s6 =	sadd.s32 @!p0 $0x88, s6;
	s7 =	simm.s32 @p2 $0x1082  }
0x22: {  	[simem:s7], [sflag:s8] =	dma.local @!p0 [hbm:s6], $0xF7A  }
0x23: {  	s9 =	sor.u32 $0xD0000000, s2;
	s6 =	simm.s32 $0x108;
	_ =	swait.ge @!p0 [sflag:s8], $0x0  }
0x24: {  	s3 =	sadd.s32 $0x88, s3;
	s6 =	simm.s32 @!p1 $0x1082;
	[sflag:s4] =	ssyncset.s32 $0xFFFFF086  }
0x25: {  	[simem:s6], [sflag:s4] =	dma.local [hbm:s3], $0xF7A  }
0x26: {  	[smem:$0x3F9F] =	sst s1;
	(tag) =	ssettag s2;
	_ =	strace s9  }
0x27: {  	s1 =	sld [smem:$0x3FAF]  }
0x28: {  	s2 =	sld [smem:$0x3FB0]  }
0x29: {  	s4 =	sld [smem:$0x3FB2]  }
0x2a: {  	p0 =	seq.s32 s5, $0x0;
	s5 =	sld [smem:$0x3FB3]  }
0x2b: {  	s6 =	sld [smem:$0x3FB4]  }
0x2c: {  	s7 =	sld [smem:$0x3FB5]  }
0x2d: {  	s3 =	simm.s32 $0x108;
	s8 =	sld [smem:$0x3FB6]  }
0x2e: {  	s3 =	simm.s32 @!p0 $0x1082;
	s9 =	sld [smem:$0x3FB7]  }
0x2f: {  	lr =	sadd.s32 s0, s3;
	s0 =	sld [smem:$0x3FAE]  }
0x30: {  	s3 =	sld [smem:$0x3FB1]  }
0x31: {  	[smem:$0x3FBA] =	sst s10  }
0x32: {  	s10 =	sld [smem:$0x3FB8];
	_ =	sdelay $0x3  }
0x33: {  	p0 =	seq.s32 s10, $0x1;
	s10 =	sld [smem:$0x3FBA];
	_ =	sdelay $0x3  }
0x34: {  	[smem:$0x3FBA] =	sst s10  }
0x35: {  	s10 =	sld [smem:$0x3FB9];
	_ =	sdelay $0x3  }
0x36: {  	p1 =	seq.s32 s10, $0x1;
	s10 =	sld [smem:$0x3FBA];
	_ =	sdelay $0x3  }
0x37: {  	[smem:$0x3FBA] =	sst s10  }
0x38: {  	s10 =	sld [smem:$0x3FBB]  }
0x39: {  	_ = 	snop;
	(pc) =	sbr.ind lr, $3  }
0x3a: {  	_ = 	snop  }
0x3b: {  	_ = 	snop  }
0x3c: {  	p2 =	seq.s32 s10, $0x1;
	s10 =	sld [smem:$0x3FBA]  }
0x3d: {  	_ =	shalt  }
0x3e: {  	_ =	shalt  }
0x3f: {  	_ =	shalt  }
0x40: {  	_ =	shalt  }
0x41: {  	_ =	shalt  }
0x42: {  	_ =	shalt  }
0x43: {  	_ =	shalt  }
0x44: {  	_ =	shalt  }
0x45: {  	_ =	shalt  }
0x46: {  	_ =	shalt  }
0x47: {  	_ =	shalt  }
0x48: {  	_ =	shalt  }
0x49: {  	_ =	shalt  }
0x4a: {  	_ =	shalt  }
0x4b: {  	_ =	shalt  }
0x4c: {  	_ =	shalt  }
0x4d: {  	_ =	shalt  }
0x4e: {  	_ =	shalt  }
0x4f: {  	_ =	shalt  }
0x50: {  	_ =	shalt  }
0x51: {  	_ =	shalt  }
0x52: {  	_ =	shalt  }
0x53: {  	_ =	shalt  }
0x54: {  	_ =	shalt  }
0x55: {  	_ =	shalt  }
0x56: {  	_ =	shalt  }
0x57: {  	_ =	shalt  }
0x58: {  	_ =	shalt  }
0x59: {  	_ =	shalt  }
0x5a: {  	_ =	shalt  }
0x5b: {  	_ =	shalt  }
0x5c: {  	_ =	shalt  }
0x5d: {  	_ =	shalt  }
0x5e: {  	_ =	shalt  }
0x5f: {  	_ =	shalt  }
0x60: {  	_ =	shalt  }
0x61: {  	_ =	shalt  }
0x62: {  	_ =	shalt  }
0x63: {  	_ =	shalt  }
0x64: {  	_ =	shalt  }
0x65: {  	_ =	shalt  }
0x66: {  	_ =	shalt  }
0x67: {  	_ =	shalt  }
0x68: {  	_ =	shalt  }
0x69: {  	_ =	shalt  }
0x6a: {  	_ =	shalt  }
0x6b: {  	_ =	shalt  }
0x6c: {  	_ =	shalt  }
0x6d: {  	_ =	shalt  }
0x6e: {  	_ =	shalt  }
0x6f: {  	_ =	shalt  }
0x70: {  	_ =	shalt  }
0x71: {  	_ =	shalt  }
0x72: {  	_ =	shalt  }
0x73: {  	_ =	shalt  }
0x74: {  	_ =	shalt  }
0x75: {  	_ =	shalt  }
0x76: {  	_ =	shalt  }
0x77: {  	_ =	shalt  }
0x78: {  	_ =	shalt  }
0x79: {  	_ =	shalt  }
0x7a: {  	_ =	shalt  }
0x7b: {  	_ =	shalt  }
0x7c: {  	_ =	shalt  }
0x7d: {  	_ =	shalt  }
0x7e: {  	_ =	shalt  }
0x7f: {  	_ =	shalt  }
0x80: {  	_ =	shalt  }
0x81: {  	_ =	shalt  }
0x82: {  	_ =	shalt  }
0x83: {  	_ =	shalt  }
0x84: {  	_ =	shalt  }
0x85: {  	_ =	shalt  }
0x86: {  	_ =	shalt  }
0x87: {  	_ =	shalt  }
.Lfunc_end0:
.L_simem_size_0:
called_computation_lowered:
.L_overlay_start_0:
0x88: {  	s2 =	sld [smem:$0x3FD9]  }
0x89: {  	s3 =	sld [smem:$0x3FFE];
	_ =	sdelay $0x1  }
0x8a: {  	s1 =	srdreg.scid  }
0x8b: {  	s0 =	sand.u32 $0x1, s1  }
0x8c: {  	s14 =	sshll.u32 s0, $0xA;
	s2 =	sadd.s32 s3, s2  }
0x8d: {  	s2 =	sadd.s32 s2, s14  }
0x8e: {  	[smem:$0x3FC6] =	sst s2  }
0x8f: {  	_ = 	snop  }
0x90: {  	s2 =	sld [smem:$0x3FD0];
	_ =	sdelay $0x2  }
0x91: {  	s15 =	simm.s32 $0xA;
	s4 =	simm.s32 $0x10  }
0x92: {  	[smem:s4], [sflag:s15] =	dma.local [hbm:s2], $0x1  }
0x93: {  	_ =	swait.eq [sflag:s15], $0x1  }
0x94: {  	s16 =	sld [smem:$0x10]  }
0x95: {  	s17 =	sld [smem:$0x11];
	[sflag:s15] =	ssyncset.done $0x0  }
0x96: {  	s5 =	sld [smem:$0x12];
	[sflag:s15] =	ssyncadd.s32 $0xFFFFFFFF  }
0x97: {  	s18 =	sld [smem:$0x13];
	(tm) =	ssettm $0x1  }
0x98: {  	s6 =	sld [smem:$0x3FFB];
	_ =	sdelay $0x3  }
0x99: {  	_ =	strace s6  }
0x9a: {  	s6 =	sld [smem:$0x3FFC];
	_ =	sdelay $0x3  }
0x9b: {  	_ =	strace s6  }
0x9c: {  	s6 =	sld [smem:$0x3FFD];
	_ =	sdelay $0x3  }
0x9d: {  	_ =	strace s6  }
0x9e: {  	_ =	strace $0x8FFFFFFF  }
0x9f: {  	s19 =	sld [smem:$0x3FDB];
	_ =	sdelay $0x1  }
0xa0: {  	s7 =	simm.s32 $_scs_section_size  }
0xa1: {  	s8 =	simm.s32 $_size__tile_overlayer_lowered;
	s9 =	simm.s32 $_tile_overlayer_lowered  }
0xa2: {  	s22 =	simm.s32 $0x1BFF;
	s21 =	sshll.u32 s9, $0x1;
	s6 =	sadd.s32 s7, s19  }
0xa3: {  	s10 =	simm.s32 $0x0;
	s20 =	sshll.u32 s8, $0x1;
	s8 =	sadd.s32 s21, s6  }
0xa4: {  	[timem:s10], [sflag:s22] =	dma.local [hbm:s8], s20  }
0xa5: {  	_ =	swait.ge [sflag:s22], s20  }
0xa6: {  	s7 =	ssub.s32 $0x0, s20;
	[sflag:s22] =	ssyncset.done $0x0  }
0xa7: {  	[sflag:s22] =	ssyncadd.s32 s7;
	_ =	sdelay $0x1  }
0xa8: {  	s23 =	simm.s32 $0x1B8B  }
0xa9: {  	_ =	swait.ge [sflag:s23], $0x1  }
0xaa: {  	[sflag:s23] =	ssyncset.done $0x0  }
0xab: {  	s25 =	simm.s32 $0x1B8E;
	s24 =	sld [smem:$0x3FFE];
	[sflag:s23] =	ssyncadd.s32 $0xFFFFFFFF  }
0xac: {  	s26 =	simm.s32 $execute0_lowered;
	[smem:$0x3FD2] =	sst s25  }
0xad: {  	s8 =	sshll.u32 s26, $0x1;
	_ =	strace $0x80000046;
	[dreg:$0x1] =	wrdreg $0xFFFFFFFF  }
0xae: {  	s28 =	simm.s32 $_size_execute0_lowered;
	s6 =	sadd.s32 s6, s8;
	[dreg:$0x0] =	wrdreg $0x0  }
0xaf: {  	s8 =	sshll.u32 s28, $0x1;
	[dreg:$0x2] =	wrdreg s6  }
0xb0: {  	[dreg:$0x3] =	wrdreg s8  }
0xb1: {  	[dreg:$0x4] =	wrdreg $0xC0  }
0xb2: {  	_ =	task [dreg:s10], $0x5FFFF  }
0xb3: {  	[dreg:$0x1] =	wrdreg $0xFFFFFFFF  }
0xb4: {  	[dreg:$0x0] =	wrdreg $0x60  }
0xb5: {  	[dreg:$0x2] =	wrdreg s16  }
0xb6: {  	[dreg:$0x3] =	wrdreg s17  }
0xb7: {  	[dreg:$0x4] =	wrdreg s24  }
0xb8: {  	[dreg:$0x5] =	wrdreg s5  }
0xb9: {  	[dreg:$0x6] =	wrdreg s18  }
0xba: {  	[dreg:$0x7] =	wrdreg $0x9  }
0xbb: {  	_ =	task.clear_ibuf [dreg:s10], $0x8FFFF;
	_ =	strace $0x90000046  }
0xbc: {  	s29 =	simm.s32 $0x9;
	_ =	strace $0x80000048  }
0xbd: {  	_ =	swait.ge [sflag:s29], $0x1  }
0xbe: {  	[sflag:s29] =	ssyncadd.s32 $0xFFFFFFFF  }
0xbf: {  	_ =	strace $0x90000048  }
0xc0: {  	_ =	sfence  }
0xc1: {  	s30 =	sld [smem:$0x0];
	_ =	sdelay $0x2  }
0xc2: {  	s31 =	sshll.u32 s1, $0xD;
	s1 =	sshrl.u32 s1, $0x2  }
0xc3: {  	s3 =	sand.u32 $0x4000, s31;
	s1 =	sadd.s32 s1, s30  }
0xc4: {  	s0 =	sor.u32 s3, s0;
	s1 =	sshll.u32 s1, $0x11  }
0xc5: {  	s0 =	sor.u32 s1, s0  }
0xc6: {  	s0 =	sadd.s32 $0x8F2B, s0  }
0xc7: {  	[sflag:s0] =	ssyncadd.remote.s32 $0x1  }
0xc8: {  	_ =	sfence.sel $0xFFFF  }
0xc9: {  	[dreg:$0x0] =	wrdreg $0xFFFFFFFF;
	(pc) =	sbr.abs _section_cstart, $3  }
0xca: {  	[dreg:$0x1] =	wrdreg $0xFFFFFFFF  }
0xcb: {  	_ =	task.clear_ibuf [dreg:s10], $0x2FFFF;
	_ =	strace $0x9FFFFFFF  }
0xcc: {  	(tm) =	ssettm $0x7FFFFFFF  }
0xcd: {  	_ =	shalt  }
tec
execute0_lowered:
.L_overlay_start_1:
0x0: {  	(tag) =	ssettag $0x1  }
0x1: {  	v0 =	vimm.s32 $0x22111000;
	v1 =	vlaneseq.u32;
	v2 =	vimm.f32 $2.000000000e+00  }
0x2: {  	vm0 =	vcmask $0x1F00;
	vm3 =	vcmask $0x2320;
	vm1 =	vcmask $0x2F24  }
0x3: {  	s0 =	rddreg [dreg:$0x0];
	v5 =	vimm.s32 $0x301;
	vm2 =	vcmask $0x704;
	vm4 =	vcmask $0x3B30  }
0x4: {  	s2 =	rddreg [dreg:$0x1];
	vm9 =	vcmask $0xF0C;
	vm10 =	vcmask $0x1310;
	vm5 =	vcmask $0x2300  }
0x5: {  	s5 =	rddreg [dreg:$0x2];
	vm11 =	vcmask $0x1714;
	vm12 =	vcmask $0x1B18;
	vm6 =	vcmask $0x2B28  }
0x6: {  	s6 =	rddreg [dreg:$0x3];
	s3 =	srdreg.scid;
	vm13 =	vcmask $0x1F1C;
	vm7 =	vcmask $0x2F2C;
	vm14 =	vcmask $0x2724  }
0x7: {  	s1 =	stileid.u32;
	s7 =	rddreg [dreg:$0x4];
	vm8 =	vcmask $0x3330;
	v6 =	vimm.s32 $0x2401;
	v7 =	vimm.s32 $0x203  }
0x8: {  	s4 =	simm.s32 $0x0;
	vm15 =	vcmask $0x700;
	v8 =	vimm.s32 $0x4801;
	v10 =	vimm.s32 $0x2402;
	s8 =	sand.u32 $0x1, s3;
	s9 =	sshll.u32 s1, $0x1  }
0x9: {  	[smem:$0x7FF] =	sst s4;
	v3 =	vunpack.c.l.s4.s8 v0;
	v8 =	vsel vm15, $0x1802, v8;
	vm15 =	vcmask $0x1308;
	s12 =	sor.u32 s8, s9  }
0xa: {  	v12 =	vimm.s32 $0x4802;
	s3 =	rddreg [dreg:$0x5];
	v13 =	vsel vm2, $0x2400, v10;
	_ =	strace $0x80000047;
	v8 =	vsel vm15, $0x3000, v8;
	s9 =	smul.u32 $0x900, s12  }
0xb: {  	s10 =	smul.u32 $0xA10, s12;
	(erf) = vrcp.f32 v2;
	v2 =	vimm.f32 $1.280000000e+02;
	v3 =	vunpack.c.0.s8.s32 v3  }
0xc: {  	vm15 =	vcmask $0x372C;
	(erf) = vrcp.f32 v2;
	v2 =	vimm.s32 $0x24924  }
0xd: {  	v0 =	vor.u32 s9, v1;
	v1 =	vor.u32 s10, v1;
	v3 =	vnsel vm0, $0x1802, v3  }
0xe: {  	v4 =	vunpack.c.l.s2.s4 v2;
	vm0 =	vcmask $0x300;
	v3 =	vsel vm3, $0x2, v3  }
0xf: {  	v5 =	vsel vm0, $0x0, v5;
	v6 =	vsel vm0, $0xC01, v6;
	v7 =	vsel vm0, $0x381, v7  }
0x10: {  	v4 =	vunpack.c.l.s4.s8 v4;
	v3 =	vsel vm1, $0x1800, v3;
	v5 =	vsel vm2, $0x80, v5  }
0x11: {  	vm1 =	vcmask $0xB08;
	v6 =	vsel vm2, $0xC02, v6;
	v7 =	vsel vm2, $0x401, v7  }
0x12: {  	v5 =	vsel vm1, $0x100, v5;
	v3 =	vsel vm4, $0x1801, v3;
	vm4 =	vcmask $0x3B38  }
0x13: {  	v6 =	vsel vm1, $0x1800, v6;
	v7 =	vsel vm1, $0x2, v7;
	v4 =	vunpack.c.0.s8.s32 v4  }
0x14: {  	v5 =	vsel vm9, $0x180, v5;
	v6 =	vsel vm9, $0x1801, v6;
	v7 =	vsel vm9, $0x82, v7  }
0x15: {  	v5 =	vsel vm10, $0x200, v5;
	v6 =	vsel vm10, $0x1802, v6;
	v7 =	vsel vm10, $0x102, v7  }
0x16: {  	v4 =	vand.u32 $0x3, v4;
	v5 =	vsel vm11, $0x280, v5;
	v6 =	vsel vm11, $0x1800, v6  }
0x17: {  	v7 =	vsel vm11, $0x182, v7;
	v4 =	vnsel vm5, $0xC00, v4;
	v5 =	vsel vm12, $0x300, v5  }
0x18: {  	vm5 =	vcmask $0x3734;
	v6 =	vsel vm12, $0x1801, v6;
	v7 =	vsel vm12, $0x202, v7  }
0x19: {  	vm12 =	vcmask $0x1F14;
	v4 =	vsel vm6, $0xC01, v4;
	v5 =	vsel vm13, $0x380, v5  }
0x1a: {  	v6 =	vsel vm13, $0x1802, v6;
	v7 =	vsel vm13, $0x282, v7;
	v8 =	vsel vm12, $0x3001, v8  }
0x1b: {  	vm13 =	vcmask $0x2B20;
	v5 =	vsel vm3, $0x400, v5;
	v4 =	vsel vm7, $0xC02, v4  }
0x1c: {  	v6 =	vsel vm3, $0x1800, v6;
	v7 =	vsel vm3, $0x302, v7;
	v8 =	vsel vm13, $0x3002, v8  }
0x1d: {  	v5 =	vsel vm14, $0x1, v5;
	v6 =	vsel vm14, $0x1801, v6;
	v7 =	vsel vm14, $0x382, v7  }
0x1e: {  	v5 =	vsel vm6, $0x81, v5;
	v6 =	vsel vm6, $0x1802, v6;
	v7 =	vsel vm6, $0x402, v7  }
0x1f: {  	s13 =	simm.s32 $0x9000;
	v5 =	vsel vm7, $0x101, v5;
	v9 =	vsel vm7, $0x2400, v6;
	v7 =	vsel vm7, $0x3, v7  }
0x20: {  	s14 =	simm.s32 $0xA380;
	s15 =	simm.s32 $0x0;
	s8 =	ssub.s32 $0x2, s8;
	v6 =	vsel vm15, $0x4800, v8;
	v8 =	vsel vm5, $0x2402, v9;
	v9 =	vsel vm8, $0x83, v7  }
.Ltmp0:
0x21: {  	s11 =	sshrl.u32 s8, $0x1;
	p0 =	sne.s32 s12, $0x0;
	v7 =	vsel vm4, $0x2400, v8;
	v8 =	vsel vm5, $0x103, v9;
	v9 =	vimm.s32 $0x403;
	(pc) =	sbr.rel .LBB2_1-.Ltmp0, $4  }
0x22: {  	s12 =	simm.s32 $0x9A80;
	s11 =	ssub.s32 s8, s11;
	v2 =	vimm.s32 $0x0;
	s10 =	sshrl.u32 s10, $0x3;
	v4 =	vsel vm5, $0xC01, v4;
	v5 =	vsel vm8, $0x181, v5  }
0x23: {  	s9 =	sshrl.u32 s9, $0x3;
	s10 =	sadd.s32 s10, s5;
	s5 =	sadd.s32 $0x3400, s5;
	v4 =	vsel vm4, $0xC02, v4;
	v5 =	vsel vm5, $0x201, v5;
	v11 =	vsel vm0, $0x283, v9  }
0x24: {  	s6 =	sadd.s32 s6, s9;
	s7 =	sadd.s32 s7, s9;
	s9 =	smax.u32 s11, $0x1;
	v5 =	vsel vm4, $0x281, v5;
	v8 =	vsel vm4, $0x183, v8;
	v14 =	vsel vm2, $0x303, v11;
	v9 =	vpop (erf)  }
0x25: {  	s11 =	simm.s32 $0x3000;
	s8 =	sadd.s32 $0xA00, s10;
	s10 =	simm.s32 $0x1;
	v11 =	vsel vm0, $0x4801, v12;
	v12 =	vsel vm1, $0x2401, v13;
	v13 =	vsel vm1, $0x383, v14;
	v10 =	vpop (erf)  }
.LBB2_11:
0x26: {  	s15 =	sadd.s32 $0x1, s15  }
0x27: {  	p1 =	sne.s32 s15, s9  }
.Ltmp1:
0x28: {  	_ = 	snop;
	(pc) =	sbr.rel @!p1 .LBB2_12-.Ltmp1, $1  }
0x29: {  	_ =	sdelay $0x3  }
.LBB2_1:
0x2a: {  	v14 =	vshra.s32 v0, $0xD  }
0x2b: {  	v15 =	vshrl.u32 v0, $0x7;
	v16 =	vand.u32 $0x7F, v0;
	v17 =	vshrl.u32 v0, $0x2  }
0x2c: {  	v15 =	vand.u32 $0x3, v15;
	v17 =	vand.u32 $0x780, v17;
	v18 =	vmul.u32 $0x5556, v14  }
0x2d: {  	[tilespmem:s4], [sflag:$0x1] =	stream.linear.gather [hbm4b:s0+s4], $0x3000, $0x38;
	v16 =	vor.u32 v16, v17;
	v17 =	vmul.u32 $0x1800, v15;
	[tilespmem:$0xA800] =	vst v63  }
0x2e: {  	_ =	swait.ge [sflag:s10], $0x3000;
	v18 =	vshra.s32 v18, $0x10;
	v16 =	vmul.u32 $0x3, v16  }
0x2f: {  	[sflag:s10] =	ssyncset.done $0x0;
	v17 =	vadd.s32 v18, v17  }
0x30: {  	[sflag:s10] =	ssyncadd.s32 $0xFFFFD000;
	v16 =	vadd.s32 v16, v17  }
0x31: {  	[tilespmem:s11], [sflag:$0x1] =	stream.linear.gather [hbm4b:s2+s4], $0x6000, $0x38;
	[tilespmem:$0xA800] =	vst v63  }
0x32: {  	_ =	swait.ge [sflag:s10], $0x6000  }
0x33: {  	[sflag:s10] =	ssyncset.done $0x0  }
0x34: {  	[sflag:s10] =	ssyncadd.s32 $0xFFFFA000  }
0x35: {  	v16 =	vld.idx.msk [tilespmem:v16+s11+$0x0], $0xffff;
	_ =	sdelay $0x2  }
0x36: {  	v15 =	vmul.u32 $0xC00, v15  }
0x37: {  	v17 =	vmul.u32 $0xFFFFFFFD, v18  }
0x38: {  	v14 =	vadd.s32 v14, v15;
	v16 =	vmul.u32 $0x3, v16  }
0x39: {  	v14 =	vadd.s32 v17, v14  }
0x3a: {  	v14 =	vadd.s32 v16, v14;
	_ =	sdelay $0x4  }
0x3b: {  	v14 =	vld.idx.msk [tilespmem:v14+s4+$0x0], $0xffff;
	_ =	sdelay $0x4  }
0x3c: {  	v14 =	vadd.f32 $1.000000000e+00, v14;
	_ =	sdelay $0x1  }
0x3d: {  	v14 =	vmul.f32 v14, v9;
	_ =	sdelay $0x1  }
0x3e: {  	v14 =	vmul.f32 $1.280000000e+02, v14;
	_ =	sdelay $0x1  }
0x3f: {  	v18 =	vadd.f32 $-5.000000000e-01, v14;
	_ =	sdelay $0x1  }
0x40: {  	v14 =	vtrunc.f32 v18  }
0x41: {  	v17 =	vcvt.f32.s32 v14;
	_ =	sdelay $0x1  }
0x42: {  	v14 =	vadd.s32 $0x10, v0;
	v19 =	vcvt.s32.f32 v17  }
0x43: {  	v15 =	vshra.s32 v14, $0xD;
	v16 =	vshrl.u32 v14, $0x7;
	v20 =	vand.u32 $0x7F, v14  }
0x44: {  	v21 =	vshrl.u32 v14, $0x2;
	v16 =	vand.u32 $0x3, v16;
	v18 =	vsub.f32 v18, v19  }
0x45: {  	s17 =	simm.s32 $0x40;
	s19 =	simm.s32 $0x80;
	s18 =	simm.s32 $0x0;
	v21 =	vand.u32 $0x780, v21;
	v22 =	vand.u32 $0x1, v17;
	v19 =	vmul.u32 $0x5556, v15  }
.LBB2_2:
0x46: {  	p1 =	sne.s32 s19, $0x23C0;
	v20 =	vor.u32 v20, v21;
	vm0 =	veq.f32 v18, $5.000000000e-01;
	vm1 =	veq.s32 v22, $0x1  }
0x47: {  	v21 =	vmul.u32 $0x1800, v16;
	vm2 =	vgt.f32 v18, $5.000000000e-01;
	vm0 =	vmand vm0, vm1  }
0x48: {  	v18 =	vshra.s32 v19, $0x10;
	v19 =	vmul.u32 $0x3, v20;
	vm0 =	vmor vm2, vm0  }
0x49: {  	v20 =	vadd.s32 v18, v21;
	v21 =	vsel vm0, $0x1, v2  }
0x4a: {  	v19 =	vadd.s32 v19, v20;
	v17 =	vadd.s32 v17, v21  }
0x4b: {  	vm0 =	vgt.s32 v17, $0x0  }
0x4c: {  	v17 =	vnsel vm0, $0x0, v17  }
0x4d: {  	s16 =	sshra.s32 s18, $0x2;
	s18 =	smov.u32 s17;
	s17 =	smov.u32 s19;
	v17 =	vmin.u32 v17, $0x7F  }
0x4e: {  	[tilespmem:s16+$0x9A80] =	vst v17  }
0x4f: {  	v17 =	vld.idx.msk [tilespmem:v19+s11+$0x0], $0xffff;
	_ =	sdelay $0x3  }
0x50: {  	v16 =	vmul.u32 $0xC00, v16  }
0x51: {  	v18 =	vmul.u32 $0xFFFFFFFD, v18  }
0x52: {  	v15 =	vadd.s32 v15, v16;
	v17 =	vmul.u32 $0x3, v17  }
0x53: {  	v15 =	vadd.s32 v18, v15  }
0x54: {  	v15 =	vadd.s32 v17, v15;
	_ =	sdelay $0x3  }
0x55: {  	s16 =	simm.s32 $0x0  }
0x56: {  	v15 =	vld.idx.msk [tilespmem:v15+s16+$0x0], $0xffff;
	_ =	sdelay $0x5  }
0x57: {  	v15 =	vadd.f32 $1.000000000e+00, v15;
	_ =	sdelay $0x1  }
0x58: {  	v15 =	vmul.f32 v15, v9;
	_ =	sdelay $0x1  }
0x59: {  	v15 =	vmul.f32 $1.280000000e+02, v15;
	_ =	sdelay $0x1  }
0x5a: {  	v18 =	vadd.f32 $-5.000000000e-01, v15;
	_ =	sdelay $0x1  }
0x5b: {  	v15 =	vtrunc.f32 v18  }
0x5c: {  	v17 =	vcvt.f32.s32 v15  }
.Ltmp2:
0x5d: {  	(pc) =	sbr.rel @p1 .LBB2_2-.Ltmp2, $4  }
0x5e: {  	v14 =	vadd.s32 $0x10, v14;
	v19 =	vcvt.s32.f32 v17  }
0x5f: {  	v16 =	vshrl.u32 v14, $0x7;
	v20 =	vand.u32 $0x7F, v14;
	v15 =	vshra.s32 v14, $0xD  }
0x60: {  	v16 =	vand.u32 $0x3, v16;
	v21 =	vshrl.u32 v14, $0x2;
	v18 =	vsub.f32 v18, v19  }
0x61: {  	s19 =	sadd.s32 $0x40, s19;
	v21 =	vand.u32 $0x780, v21;
	v22 =	vand.u32 $0x1, v17;
	v19 =	vmul.u32 $0x5556, v15  }
0x62: {  	v14 =	vor.u32 v20, v21;
	vm0 =	veq.f32 v18, $5.000000000e-01;
	vm1 =	veq.s32 v22, $0x1  }
0x63: {  	v20 =	vmul.u32 $0x1800, v16;
	vm2 =	vgt.f32 v18, $5.000000000e-01;
	vm0 =	vmand vm0, vm1  }
0x64: {  	v18 =	vshra.s32 v19, $0x10;
	v14 =	vmul.u32 $0x3, v14;
	vm0 =	vmor vm2, vm0  }
0x65: {  	v19 =	vadd.s32 v18, v20;
	v20 =	vsel vm0, $0x1, v2  }
0x66: {  	v14 =	vadd.s32 v14, v19;
	v17 =	vadd.s32 v17, v20  }
0x67: {  	vm11 =	vgt.s32 v17, $0x0  }
0x68: {  	v17 =	vnsel vm11, $0x0, v17  }
0x69: {  	s18 =	sshra.s32 s18, $0x2;
	v17 =	vmin.u32 v17, $0x7F  }
0x6a: {  	[tilespmem:s18+$0x9A80] =	vst v17  }
0x6b: {  	v14 =	vld.idx.msk [tilespmem:v14+s11+$0x0], $0xffff;
	_ =	sdelay $0x2  }
0x6c: {  	v16 =	vmul.u32 $0xC00, v16  }
0x6d: {  	v17 =	vmul.u32 $0xFFFFFFFD, v18  }
0x6e: {  	v15 =	vadd.s32 v15, v16;
	v14 =	vmul.u32 $0x3, v14  }
0x6f: {  	v15 =	vadd.s32 v17, v15  }
0x70: {  	v14 =	vadd.s32 v14, v15;
	_ =	sdelay $0x4  }
0x71: {  	v14 =	vld.idx.msk [tilespmem:v14+s16+$0x0], $0xffff;
	_ =	sdelay $0x4  }
0x72: {  	v14 =	vadd.f32 $1.000000000e+00, v14;
	_ =	sdelay $0x1  }
0x73: {  	v14 =	vmul.f32 v14, v9;
	_ =	sdelay $0x1  }
0x74: {  	v14 =	vmul.f32 $1.280000000e+02, v14;
	_ =	sdelay $0x1  }
0x75: {  	v14 =	vadd.f32 $-5.000000000e-01, v14;
	_ =	sdelay $0x1  }
0x76: {  	v15 =	vtrunc.f32 v14  }
0x77: {  	v15 =	vcvt.f32.s32 v15;
	_ =	sdelay $0x1  }
0x78: {  	v16 =	vcvt.s32.f32 v15;
	_ =	sdelay $0x1  }
0x79: {  	v14 =	vsub.f32 v14, v16  }
0x7a: {  	v16 =	vand.u32 $0x1, v15  }
0x7b: {  	vm13 =	veq.s32 v16, $0x1;
	vm12 =	veq.f32 v14, $5.000000000e-01  }
0x7c: {  	vm14 =	vgt.f32 v14, $5.000000000e-01;
	vm0 =	vmand vm12, vm13  }
0x7d: {  	vm0 =	vmor vm14, vm0  }
0x7e: {  	p2 =	por $0x1, $0x1;
	v14 =	vsel vm0, $0x1, v2  }
.Ltmp3:
0x7f: {  	v14 =	vadd.s32 v15, v14;
	(pc) =	sbr.rel @!p2 .LBB2_4-.Ltmp3, $4  }
0x80: {  	vm15 =	vgt.s32 v14, $0x0  }
0x81: {  	v14 =	vnsel vm15, $0x0, v14  }
0x82: {  	s17 =	sshra.s32 s17, $0x2;
	v14 =	vmin.u32 v14, $0x7F  }
0x83: {  	p1 =	por $0x0, $0x0;
	v19 =	vshra.s32 v1, $0x2;
	[tilespmem:s17+$0x9A80] =	vst v14;
	s17 =	simm.s32 $0x40  }
0x84: {  	v14 =	vand.u32 $0xFFFFFF80, v19;
	v15 =	vand.u32 $0x7F, v1  }
0x85: {  	v14 =	vor.u32 v15, v14  }
0x86: {  	v15 =	vadd.s32 $0xFFFFFFFF, v14  }
0x87: {  	v16 =	vmul.u32 $0xCCCD, v15;
	_ =	sdelay $0x1  }
0x88: {  	v16 =	vshra.s32 v16, $0x13  }
0x89: {  	v17 =	vsub.s32 v15, v16  }
0x8a: {  	vm0 =	vgt.s32 v17, $0x0  }
0x8b: {  	v17 =	vnsel vm0, $0x0, v17  }
0x8c: {  	v18 =	vshrl.u32 v1, $0x7;
	v17 =	vmin.u32 v17, $0x47FF  }
0x8d: {  	v18 =	vand.u32 $0x3, v18;
	v19 =	vmul.u32 $0x5556, v17  }
0x8e: {  	v20 =	vmul.u32 $0x1800, v18  }
0x8f: {  	v19 =	vshrl.u32 v19, $0x10  }
0x90: {  	v20 =	vadd.s32 v20, v19  }
0x91: {  	v21 =	vand.u32 $0x7F, v19;
	v20 =	vand.u32 $0xFF80, v20  }
0x92: {  	v20 =	vor.u32 v21, v20;
	_ =	sdelay $0x4  }
0x93: {  	v20 =	vld.idx.msk [tilespmem:v20+s11+$0x0], $0xffff;
	_ =	sdelay $0x2  }
0x94: {  	v18 =	vmul.u32 $0xC00, v18  }
0x95: {  	v19 =	vmul.u32 $0xFFFFFFFD, v19  }
0x96: {  	v17 =	vadd.s32 v18, v17;
	v20 =	vmul.u32 $0x3, v20  }
0x97: {  	v17 =	vadd.s32 v19, v17  }
0x98: {  	v17 =	vadd.s32 v20, v17;
	_ =	sdelay $0x4  }
0x99: {  	v17 =	vld.idx.msk [tilespmem:v17+s4+$0x0], $0xffff;
	_ =	sdelay $0x4  }
0x9a: {  	p2 =	por $0x1, $0x1;
	v17 =	vadd.f32 $1.000000000e+00, v17  }
.Ltmp4:
0x9b: {  	_ = 	snop;
	(pc) =	sbr.rel @!p2 .LBB2_6-.Ltmp4, $3  }
0x9c: {  	v18 =	vmul.f32 v17, v9;
	_ =	sdelay $0x1  }
0x9d: {  	v17 =	vadd.s32 $0x10, v1;
	v18 =	vmul.f32 $1.280000000e+02, v18  }
0x9e: {  	s18 =	simm.s32 $0x80;
	p1 =	por $0x1, $0x1;
	v19 =	vshra.s32 v17, $0x2  }
.LBB2_7:
0x9f: {  	p2 =	sne.s32 s18, $0x2800;
	v19 =	vand.u32 $0xFFFFFF80, v19;
	v20 =	vand.u32 $0x7F, v17;
	v18 =	vadd.f32 $-5.000000000e-01, v18  }
0xa0: {  	v19 =	vor.u32 v20, v19  }
0xa1: {  	v20 =	vadd.s32 $0xFFFFFFFF, v19;
	v21 =	vtrunc.f32 v18  }
0xa2: {  	v22 =	vmul.u32 $0xCCCD, v20;
	v21 =	vcvt.f32.s32 v21;
	_ =	sdelay $0x1  }
0xa3: {  	v22 =	vshra.s32 v22, $0x13;
	v23 =	vcvt.s32.f32 v21  }
0xa4: {  	v24 =	vsub.s32 v20, v22  }
0xa5: {  	v25 =	vshrl.u32 v17, $0x7;
	vm0 =	vgt.s32 v24, $0x0;
	v18 =	vsub.f32 v18, v23  }
0xa6: {  	v23 =	vand.u32 $0x3, v25;
	v25 =	vand.u32 $0x1, v21;
	v24 =	vnsel vm0, $0x0, v24  }
0xa7: {  	vm1 =	veq.s32 v25, $0x1;
	v24 =	vmin.u32 v24, $0x47FF;
	vm0 =	veq.f32 v18, $5.000000000e-01  }
0xa8: {  	vm2 =	vgt.f32 v18, $5.000000000e-01;
	v25 =	vmul.u32 $0x5556, v24;
	vm0 =	vmand vm0, vm1  }
0xa9: {  	v18 =	vmul.u32 $0x1800, v23;
	vm0 =	vmor vm2, vm0  }
0xaa: {  	v25 =	vshrl.u32 v25, $0x10;
	v26 =	vsel vm0, $0x1, v2;
	vm0 =	veq.s32 v14, $0x0  }
0xab: {  	v27 =	vmul.u32 $0xFFFFFFF6, v16;
	v16 =	vmovc v22;
	v18 =	vadd.s32 v18, v25;
	v21 =	vadd.s32 v21, v26  }
0xac: {  	v22 =	vand.u32 $0x7F, v25;
	v18 =	vand.u32 $0xFF80, v18;
	vm1 =	vgt.s32 v21, $0x0  }
0xad: {  	v18 =	vor.u32 v22, v18;
	v22 =	vadd.s32 v15, v27;
	v21 =	vnsel vm1, $0x0, v21;
	v15 =	vmovc v20  }
0xae: {  	vm2 =	vgt.s32 v14, $0x4FFF;
	v14 =	vmovc v19;
	v20 =	vmin.u32 v21, $0x7F;
	vm1 =	veq.s32 v22, $0x9  }
0xaf: {  	vm0 =	vmor vm0, vm2;
	v19 =	vsel vm1, $0x80, v20  }
0xb0: {  	s19 =	sshra.s32 s16, $0x2;
	s16 =	smov.u32 s17;
	s17 =	smov.u32 s18;
	v19 =	vsel vm0, $0xFFFFFFFF, v19  }
0xb1: {  	[tilespmem:s19+$0x9000] =	vst v19  }
0xb2: {  	v18 =	vld.idx.msk [tilespmem:v18+s11+$0x0], $0xffff;
	_ =	sdelay $0x3  }
0xb3: {  	v19 =	vmul.u32 $0xC00, v23  }
0xb4: {  	v20 =	vmul.u32 $0xFFFFFFFD, v25  }
0xb5: {  	v19 =	vadd.s32 v19, v24;
	v18 =	vmul.u32 $0x3, v18  }
0xb6: {  	v19 =	vadd.s32 v20, v19  }
0xb7: {  	v18 =	vadd.s32 v18, v19;
	_ =	sdelay $0x4  }
0xb8: {  	v18 =	vld.idx.msk [tilespmem:v18+s4+$0x0], $0xffff;
	_ =	sdelay $0x5  }
0xb9: {  	v18 =	vadd.f32 $1.000000000e+00, v18  }
.Ltmp5:
0xba: {  	(pc) =	sbr.rel @p2 .LBB2_7-.Ltmp5, $3  }
0xbb: {  	v18 =	vmul.f32 v18, v9;
	_ =	sdelay $0x1  }
0xbc: {  	v17 =	vadd.s32 $0x10, v17;
	v18 =	vmul.f32 $1.280000000e+02, v18  }
0xbd: {  	s18 =	sadd.s32 $0x40, s18;
	v19 =	vshra.s32 v17, $0x2  }
0xbe: {  	s18 =	smov.u32 s16;
	s16 =	smov.u32 s17  }
.LBB2_9:
0xbf: {  	v19 =	vand.u32 $0xFFFFFF80, v19;
	v20 =	vand.u32 $0x7F, v17;
	v18 =	vadd.f32 @p1 $-5.000000000e-01, v18  }
0xc0: {  	v19 =	vor.u32 v20, v19  }
0xc1: {  	v20 =	vadd.s32 $0xFFFFFFFF, v19;
	v21 =	vtrunc.f32 @p1 v18  }
0xc2: {  	v22 =	vmul.u32 $0xCCCD, v20;
	v21 =	vcvt.f32.s32 @p1 v21;
	_ =	sdelay $0x1  }
0xc3: {  	v22 =	vshra.s32 v22, $0x13;
	v23 =	vcvt.s32.f32 @p1 v21  }
0xc4: {  	v24 =	vsub.s32 v20, v22  }
0xc5: {  	v55 =	vshrl.u32 v17, $0x7;
	vm0 =	vgt.s32 v24, $0x0;
	v18 =	vsub.f32 @p1 v18, v23  }
0xc6: {  	v17 =	vand.u32 $0x3, v55;
	v56 =	vnsel vm0, $0x0, v24;
	v24 =	vand.u32 @p1 $0x1, v21  }
0xc7: {  	v23 =	vmin.u32 v56, $0x47FF;
	vm0 =	veq.f32 @p1 v18, $5.000000000e-01;
	vm1 =	veq.s32 @p1 v24, $0x1  }
0xc8: {  	vm2 =	vgt.f32 @p1 v18, $5.000000000e-01;
	v57 =	vmul.u32 $0x5556, v23;
	vm0 =	vmand @p1 vm0, vm1  }
0xc9: {  	v16 =	vmul.u32 @p1 $0xFFFFFFF6, v16;
	v58 =	vmul.u32 $0x1800, v17;
	vm0 =	vmor @p1 vm2, vm0  }
0xca: {  	v24 =	vshrl.u32 v57, $0x10;
	v25 =	vsel @p1 vm0, $0x1, v2  }
0xcb: {  	v15 =	vadd.s32 @p1 v15, v16;
	v18 =	vadd.s32 v58, v24;
	v21 =	vadd.s32 @p1 v21, v25  }
0xcc: {  	v59 =	vand.u32 $0x7F, v24;
	v18 =	vand.u32 $0xFF80, v18;
	vm1 =	vgt.s32 @p1 v21, $0x0  }
0xcd: {  	vm2 =	vgt.s32 @p1 v14, $0x4FFF;
	v18 =	vor.u32 v59, v18;
	v16 =	vnsel @p1 vm1, $0x0, v21  }
0xce: {  	vm0 =	veq.s32 @p1 v14, $0x0;
	vm1 =	veq.s32 @p1 v15, $0x9;
	v16 =	vmin.u32 @p1 v16, $0x7F  }
0xcf: {  	vm0 =	vmor @p1 vm0, vm2;
	v14 =	vsel @p1 vm1, $0x80, v16  }
0xd0: {  	s17 =	sshra.s32 @p1 s18, $0x2;
	v14 =	vsel @p1 vm0, $0xFFFFFFFF, v14  }
0xd1: {  	[tilespmem:s17+$0x9000] =	vst @p1 v14  }
0xd2: {  	v14 =	vld.idx.msk [tilespmem:v18+s11+$0x0], $0xffff;
	_ =	sdelay $0x2  }
0xd3: {  	v15 =	vmul.u32 $0xC00, v17  }
0xd4: {  	v60 =	vmul.u32 $0xFFFFFFFD, v24  }
0xd5: {  	v15 =	vadd.s32 v15, v23;
	v14 =	vmul.u32 $0x3, v14  }
0xd6: {  	v15 =	vadd.s32 v60, v15  }
0xd7: {  	v14 =	vadd.s32 v14, v15;
	_ =	sdelay $0x4  }
0xd8: {  	v14 =	vld.idx.msk [tilespmem:v14+s4+$0x0], $0xffff;
	_ =	sdelay $0x4  }
0xd9: {  	v14 =	vadd.f32 $1.000000000e+00, v14;
	_ =	sdelay $0x1  }
0xda: {  	v14 =	vmul.f32 v14, v9;
	_ =	sdelay $0x1  }
0xdb: {  	v14 =	vmul.f32 $1.280000000e+02, v14;
	_ =	sdelay $0x1  }
0xdc: {  	v14 =	vadd.f32 $-5.000000000e-01, v14;
	_ =	sdelay $0x1  }
0xdd: {  	v15 =	vtrunc.f32 v14  }
0xde: {  	v15 =	vcvt.f32.s32 v15;
	_ =	sdelay $0x1  }
0xdf: {  	v61 =	vcvt.s32.f32 v15;
	_ =	sdelay $0x1  }
0xe0: {  	v14 =	vsub.f32 v14, v61  }
0xe1: {  	v62 =	vand.u32 $0x1, v15  }
0xe2: {  	vm9 =	veq.s32 v62, $0x1;
	vm8 =	veq.f32 v14, $5.000000000e-01  }
0xe3: {  	vm10 =	vgt.f32 v14, $5.000000000e-01;
	vm0 =	vmand vm8, vm9  }
0xe4: {  	vm0 =	vmor vm10, vm0  }
0xe5: {  	v14 =	vsel vm0, $0x1, v2  }
0xe6: {  	v63 =	vmul.u32 $0xFFFFFFF6, v22;
	v14 =	vadd.s32 v15, v14  }
0xe7: {  	vm11 =	vgt.s32 v14, $0x0  }
0xe8: {  	vm12 =	veq.s32 v19, $0x0;
	v15 =	vadd.s32 v20, v63;
	v14 =	vnsel vm11, $0x0, v14  }
0xe9: {  	vm14 =	vgt.s32 v19, $0x4FFF;
	vm13 =	veq.s32 v15, $0x9;
	v14 =	vmin.u32 v14, $0x7F  }
0xea: {  	vm15 =	vmor vm12, vm14;
	v14 =	vsel vm13, $0x80, v14  }
0xeb: {  	s16 =	sshra.s32 s16, $0x2;
	v14 =	vsel vm15, $0xFFFFFFFF, v14  }
0xec: {  	[tilespmem:s16+$0x9000] =	vst v14  }
0xed: {  	[hbm4b:s6+s4] =	stream.linear.scatter [tilespmem:s12], [sflag:$0x1], $0x900, $0x38;
	[tilespmem:$0xA800] =	vst v63  }
0xee: {  	_ =	swait.ge [sflag:s10], $0x900  }
0xef: {  	[sflag:s10] =	ssyncset.done $0x0  }
0xf0: {  	[sflag:s10] =	ssyncadd.s32 $0xFFFFF700  }
0xf1: {  	[hbm4b:s7+s4] =	stream.linear.scatter [tilespmem:s12], [sflag:$0x1], $0x900, $0x38;
	[tilespmem:$0xA800] =	vst v63  }
0xf2: {  	_ =	swait.ge [sflag:s10], $0x900  }
0xf3: {  	[sflag:s10] =	ssyncset.done $0x0  }
.Ltmp6:
0xf4: {  	[sflag:s10] =	ssyncadd.s32 $0xFFFFF700;
	(pc) =	sbr.rel @p0 .LBB2_11-.Ltmp6, $4  }
0xf5: {  	[hbm4b:s8+s4] =	stream.linear.scatter [tilespmem:s13], [sflag:$0x1], $0xA10, $0x38;
	[tilespmem:$0xA800] =	vst v63  }
0xf6: {  	_ =	swait.ge [sflag:s10], $0xA10  }
0xf7: {  	[sflag:s10] =	ssyncset.done $0x0  }
0xf8: {  	[sflag:s10] =	ssyncadd.s32 $0xFFFFF5F0  }
0xf9: {  	_ =	sdelay $0x3  }
0xfa: {  	v14 =	vld.idx.msk [tilespmem:v3+s11+$0x0], $0xffff;
	_ =	sdelay $0x4  }
0xfb: {  	v14 =	vmul.u32 $0x3, v14;
	_ =	sdelay $0x1  }
0xfc: {  	v14 =	vadd.s32 v4, v14;
	_ =	sdelay $0x4  }
0xfd: {  	v14 =	vld.idx.msk [tilespmem:v14+s4+$0x0], $0xffff;
	_ =	sdelay $0x4  }
0xfe: {  	v14 =	vadd.f32 $1.000000000e+00, v14;
	_ =	sdelay $0x1  }
0xff: {  	v14 =	vmul.f32 v14, v9;
	_ =	sdelay $0x1  }
0x100: {  	v14 =	vmul.f32 $1.280000000e+02, v14;
	_ =	sdelay $0x1  }
0x101: {  	v14 =	vadd.f32 $-5.000000000e-01, v14;
	_ =	sdelay $0x1  }
0x102: {  	v15 =	vtrunc.f32 v14  }
0x103: {  	v15 =	vcvt.f32.s32 v15;
	_ =	sdelay $0x1  }
0x104: {  	v16 =	vcvt.s32.f32 v15;
	_ =	sdelay $0x1  }
0x105: {  	v14 =	vsub.f32 v14, v16  }
0x106: {  	v59 =	vand.u32 $0x1, v15  }
0x107: {  	vm1 =	veq.s32 v59, $0x1;
	vm0 =	veq.f32 v14, $5.000000000e-01  }
0x108: {  	vm2 =	vgt.f32 v14, $5.000000000e-01;
	vm0 =	vmand vm0, vm1  }
0x109: {  	vm0 =	vmor vm2, vm0  }
0x10a: {  	v14 =	vsel vm0, $0x1, v2  }
0x10b: {  	v14 =	vadd.s32 v15, v14  }
0x10c: {  	vm7 =	vgt.s32 v14, $0x0  }
0x10d: {  	v14 =	vnsel vm7, $0x0, v14  }
0x10e: {  	v14 =	vmin.u32 v14, $0x7F  }
0x10f: {  	v14 =	vcvt.s32.f32 v14;
	_ =	sdelay $0x1  }
0x110: {  	v14 =	vadd.f32 $5.000000000e-01, v14;
	_ =	sdelay $0x1  }
0x111: {  	v14 =	vmul.f32 v14, v10;
	_ =	sdelay $0x1  }
0x112: {  	v14 =	vadd.f32 v14, v14;
	_ =	sdelay $0x1  }
0x113: {  	v14 =	vadd.f32 $-1.000000000e+00, v14;
	_ =	sdelay $0x1  }
0x114: {  	[tilespmem:v5+s14+$0x0] =	vst.idx.msk $0xffff, v14  }
0x115: {  	v14 =	vld.idx.msk [tilespmem:v6+s11+$0x0], $0xffff;
	_ =	sdelay $0x4  }
0x116: {  	v14 =	vmul.u32 $0x3, v14;
	_ =	sdelay $0x1  }
0x117: {  	v14 =	vadd.s32 v7, v14;
	_ =	sdelay $0x4  }
0x118: {  	v14 =	vld.idx.msk [tilespmem:v14+s4+$0x0], $0xffff;
	_ =	sdelay $0x4  }
0x119: {  	v14 =	vadd.f32 $1.000000000e+00, v14;
	_ =	sdelay $0x1  }
0x11a: {  	v14 =	vmul.f32 v14, v9;
	_ =	sdelay $0x1  }
0x11b: {  	v14 =	vmul.f32 $1.280000000e+02, v14;
	_ =	sdelay $0x1  }
0x11c: {  	v14 =	vadd.f32 $-5.000000000e-01, v14;
	_ =	sdelay $0x1  }
0x11d: {  	v15 =	vtrunc.f32 v14  }
0x11e: {  	v15 =	vcvt.f32.s32 v15;
	_ =	sdelay $0x1  }
0x11f: {  	v60 =	vcvt.s32.f32 v15;
	_ =	sdelay $0x1  }
0x120: {  	v14 =	vsub.f32 v14, v60  }
0x121: {  	v61 =	vand.u32 $0x1, v15  }
0x122: {  	vm9 =	veq.s32 v61, $0x1;
	vm8 =	veq.f32 v14, $5.000000000e-01  }
0x123: {  	vm10 =	vgt.f32 v14, $5.000000000e-01;
	vm0 =	vmand vm8, vm9  }
0x124: {  	vm0 =	vmor vm10, vm0  }
0x125: {  	v14 =	vsel vm0, $0x1, v2  }
0x126: {  	v14 =	vadd.s32 v15, v14  }
0x127: {  	vm11 =	vgt.s32 v14, $0x0  }
0x128: {  	v14 =	vnsel vm11, $0x0, v14  }
0x129: {  	v14 =	vmin.u32 v14, $0x7F  }
0x12a: {  	v14 =	vcvt.s32.f32 v14;
	_ =	sdelay $0x1  }
0x12b: {  	v14 =	vadd.f32 $5.000000000e-01, v14;
	_ =	sdelay $0x1  }
0x12c: {  	v14 =	vmul.f32 v14, v10;
	_ =	sdelay $0x1  }
0x12d: {  	v14 =	vadd.f32 v14, v14;
	_ =	sdelay $0x1  }
0x12e: {  	v14 =	vadd.f32 $-1.000000000e+00, v14;
	_ =	sdelay $0x1  }
0x12f: {  	[tilespmem:v8+s14+$0x0] =	vst.idx.msk $0xffff, v14  }
0x130: {  	v14 =	vld.idx.msk [tilespmem:v11+s11+$0x0], $0xffff;
	_ =	sdelay $0x4  }
0x131: {  	v14 =	vmul.u32 $0x3, v14;
	_ =	sdelay $0x1  }
0x132: {  	v14 =	vadd.s32 v12, v14;
	_ =	sdelay $0x4  }
0x133: {  	v14 =	vld.idx.msk [tilespmem:v14+s4+$0x0], $0xffff;
	_ =	sdelay $0x4  }
0x134: {  	v14 =	vadd.f32 $1.000000000e+00, v14;
	_ =	sdelay $0x1  }
0x135: {  	v14 =	vmul.f32 v14, v9;
	_ =	sdelay $0x1  }
0x136: {  	v14 =	vmul.f32 $1.280000000e+02, v14;
	_ =	sdelay $0x1  }
0x137: {  	v14 =	vadd.f32 $-5.000000000e-01, v14;
	_ =	sdelay $0x1  }
0x138: {  	v15 =	vtrunc.f32 v14  }
0x139: {  	v15 =	vcvt.f32.s32 v15;
	_ =	sdelay $0x1  }
0x13a: {  	v62 =	vcvt.s32.f32 v15;
	_ =	sdelay $0x1  }
0x13b: {  	v14 =	vsub.f32 v14, v62  }
0x13c: {  	v63 =	vand.u32 $0x1, v15  }
0x13d: {  	vm13 =	veq.s32 v63, $0x1;
	vm12 =	veq.f32 v14, $5.000000000e-01  }
0x13e: {  	vm14 =	vgt.f32 v14, $5.000000000e-01;
	vm0 =	vmand vm12, vm13  }
0x13f: {  	vm0 =	vmor vm14, vm0  }
0x140: {  	v14 =	vsel vm0, $0x1, v2  }
0x141: {  	v14 =	vadd.s32 v15, v14  }
0x142: {  	vm15 =	vgt.s32 v14, $0x0  }
0x143: {  	v14 =	vnsel vm15, $0x0, v14  }
0x144: {  	v14 =	vmin.u32 v14, $0x7F  }
0x145: {  	v14 =	vcvt.s32.f32 v14;
	_ =	sdelay $0x1  }
0x146: {  	v14 =	vadd.f32 $5.000000000e-01, v14;
	_ =	sdelay $0x1  }
0x147: {  	v14 =	vmul.f32 v14, v10;
	_ =	sdelay $0x1  }
0x148: {  	v14 =	vadd.f32 v14, v14;
	_ =	sdelay $0x1  }
0x149: {  	v14 =	vadd.f32 $-1.000000000e+00, v14;
	_ =	sdelay $0x1  }
.Ltmp7:
0x14a: {  	[tilespmem:v13+s14+$0x0] =	vst.idx.msk $0xffff, v14;
	(pc) =	sbr.rel .LBB2_11-.Ltmp7, $4  }
0x14b: {  	[hbm4b:s5+s4] =	stream.linear.scatter [tilespmem:s14], [sflag:$0x1], $0x480, $0x38;
	[tilespmem:$0xA800] =	vst v63  }
0x14c: {  	_ =	swait.ge [sflag:s10], $0x480  }
0x14d: {  	[sflag:s10] =	ssyncset.done $0x0  }
0x14e: {  	[sflag:s10] =	ssyncadd.s32 $0xFFFFFB80  }
.LBB2_4:
.Ltmp8:
0x14f: {  	(pc) =	sbr.rel .LBB2_9-.Ltmp8, $2  }
0x150: {  	_ =	sdelay $0x2  }
0x151: {  	v17 =	vmov v1  }
.LBB2_6:
.Ltmp9:
0x152: {  	(pc) =	sbr.rel .LBB2_9-.Ltmp9, $2  }
0x153: {  	_ =	sdelay $0x2  }
0x154: {  	s18 =	simm.s32 $0x0;
	s16 =	simm.s32 $0x40  }
.LBB2_12:
0x155: {  	_ =	sfence.sel $0x180000  }
0x156: {  	[bflag:$0x0] =	sbarrier.arrive $0xFFFF  }
0x157: {  	p0 =	sne.s32 s1, $0x0;
	_ =	strace $0x90000047  }
0x158: {  	s0 =	sadd.s32 @!p0 $0x100000, s3;
	[bflag:$0x2] =	sbarrier.arrive $0xFFFF  }
0x159: {  	[sflag:s0] =	ssyncadd.tile.s32 @!p0 $0x1;
	_ =	shalt  }
.Lfunc_end2:
_tile_overlayer_lowered:
.L_overlay_start_2:
0x15a: {  	(tag) =	ssettag $0x2  }
0x15b: {  	s0 =	rddreg [dreg:$0x0];
	s2 =	stileid.u32  }
0x15c: {  	s1 =	rddreg [dreg:$0x1];
	p0 =	sne.s32 s2, $0x0  }
0x15d: {  	s3 =	rddreg [dreg:$0x2];
	[bflag:$0x3] =	sbarrier.arrive $0xFFFF;
	s2 =	simm.s32 @!p0 $0x1C01  }
0x15e: {  	[timem:s3], [sflag:s2] =	dma.local @!p0 [hbm:s0], s1  }
0x15f: {  	s0 =	simm.s32 @!p0 $0x1  }
0x160: {  	_ =	swait.ge @!p0 [sflag:s0], s1  }
0x161: {  	s1 =	ssub.s32 @!p0 $0x0, s1;
	[sflag:s0] =	ssyncset.done @!p0 $0x0  }
0x162: {  	[sflag:s0] =	ssyncadd.s32 @!p0 s1  }
0x163: {  	[bflag:$0x3] =	sbarrier.arrive $0xFFFF  }
0x164: {  	_ =	shalt  }

</sc_bundles>
